<compile_context>
chip_gen: v7x
topology: tpu7x:2x2x1
jax: 0.10.2.dev20260603
libtpu: 0.0.44.dev20260713+nightly
codegen_flags: <defaults>
</compile_context>

<pallas_src>
import functools

import jax
import jax.numpy as jnp
from jax import lax
from jax.experimental import pallas as pl
from jax.experimental.pallas import tpu as pltpu
from jax.experimental.pallas import tpu_sc as plsc

_NC = 2
_NS = 16
_C = 128
_EPS = 1e-7
_BN_INV = 1.0 / (1.0 + 1e-5) ** 0.5


def _tables_body(x_ref, p_ref, pm_ref):
    m = jnp.maximum(x_ref[...], 0.0) + _EPS
    p = jnp.exp(m)
    p_ref[...] = p
    pm_ref[...] = p * m


def _make_tables(x, block_rows):
    n, d = x.shape
    return pl.pallas_call(
        _tables_body,
        grid=(n // block_rows,),
        in_specs=[pl.BlockSpec((block_rows, d), lambda i: (i, 0))],
        out_specs=[pl.BlockSpec((block_rows, d), lambda i: (i, 0)),
                   pl.BlockSpec((block_rows, d), lambda i: (i, 0))],
        out_shape=[jax.ShapeDtypeStruct((n, d), jnp.float32),
                   jax.ShapeDtypeStruct((n, d), jnp.float32)],
    )(x)


_G = 40


def _sc_edge_phase(ei, p_tab, pm_tab, zeros, n, k_chunks, s_rows, d):
    mesh = plsc.VectorSubcoreMesh(core_axis_name="c", subcore_axis_name="s")
    n_groups = k_chunks // _G

    @functools.partial(
        pl.kernel,
        out_type=jax.ShapeDtypeStruct((_NC, n, d), jnp.float32),
        mesh=mesh,
        scratch_types=[
            pltpu.VMEM((_G, _C), jnp.int32),
            pltpu.VMEM((_G, _C), jnp.int32),
            pltpu.VMEM((_C, d), jnp.float32),
            pltpu.VMEM((_C, d), jnp.float32),
            pltpu.VMEM_SHARED((s_rows, d), jnp.float32),
            pltpu.SemaphoreType.DMA,
            pltpu.SemaphoreType.DMA,
        ],
    )
    def edge_kernel(ei_hbm, p_hbm, pm_hbm, z_hbm, out_hbm,
                    src_v, dst_v, rows0, rows1, s_sh,
                    gsem0, gsem1):
        cid = lax.axis_index("c")
        sid = lax.axis_index("s")

        @pl.when(sid == 0)
        def _():
            pltpu.sync_copy(z_hbm, s_sh)

        plsc.subcore_barrier()

        def run(tab):
            def gwait(buf, sem):
                pltpu.make_async_copy(tab.at[pl.ds(0, _C)], buf, sem).wait()

            def outer(g, carry):
                pltpu.sync_copy(ei_hbm.at[0, sid, pl.ds(g * _G, _G)], src_v)
                pltpu.sync_copy(ei_hbm.at[1, sid, pl.ds(g * _G, _G)], dst_v)
                pltpu.async_copy(tab.at[src_v.at[0]], rows0, gsem0)
                pltpu.async_copy(tab.at[src_v.at[1]], rows1, gsem1)

                def pair(t, c2):
                    a = 2 * t
                    gwait(rows0, gsem0)
                    pltpu.sync_copy(rows0, s_sh.at[dst_v.at[a]], add=True)

                    @pl.when(t < _G // 2 - 1)
                    def _():
                        pltpu.async_copy(tab.at[src_v.at[a + 2]], rows0, gsem0)

                    gwait(rows1, gsem1)
                    pltpu.sync_copy(rows1, s_sh.at[dst_v.at[a + 1]], add=True)

                    @pl.when(t < _G // 2 - 1)
                    def _():
                        pltpu.async_copy(tab.at[src_v.at[a + 3]], rows1, gsem1)

                    return c2

                lax.fori_loop(0, _G // 2, pair, 0)
                return carry

            lax.fori_loop(0, n_groups, outer, 0)

        @pl.when(cid == 0)
        def _():
            run(p_hbm)

        @pl.when(cid == 1)
        def _():
            run(pm_hbm)

        plsc.subcore_barrier()

        @pl.when(sid == 0)
        def _():
            pltpu.sync_copy(s_sh.at[pl.ds(0, n)], out_hbm.at[cid])

    return edge_kernel(ei, p_tab, pm_tab, zeros)


def _dense_body(s_ref, x_ref, w1_ref, b1_ref, g1_ref, be1_ref,
                w2_ref, b2_ref, g2_ref, be2_ref, o_ref):
    s0 = s_ref[0]
    s1 = s_ref[1]
    aggr = jnp.where(s0 > 0.0, s1 / s0, 0.0)
    out = aggr + x_ref[...]
    h = jnp.dot(out, w1_ref[...], preferred_element_type=jnp.float32) + b1_ref[...]
    h = h * (g1_ref[...] * _BN_INV) + be1_ref[...]
    h = jnp.maximum(h, 0.0)
    y = jnp.dot(h, w2_ref[...], preferred_element_type=jnp.float32) + b2_ref[...]
    mu = jnp.mean(y, axis=-1, keepdims=True)
    var = jnp.mean((y - mu) ** 2, axis=-1, keepdims=True)
    y = (y - mu) * lax.rsqrt(var + 1e-5) * g2_ref[...] + be2_ref[...]
    o_ref[...] = jnp.maximum(y, 0.0)


def _dense_phase(s, x, W1, b1, bn_gamma, bn_beta, W2, b2, ln_gamma, ln_beta,
                 block_rows):
    n, d = x.shape
    full = lambda shape: pl.BlockSpec(shape, lambda i: tuple(0 for _ in shape))
    return pl.pallas_call(
        _dense_body,
        grid=(n // block_rows,),
        in_specs=[
            pl.BlockSpec((2, block_rows, d), lambda i: (0, i, 0)),
            pl.BlockSpec((block_rows, d), lambda i: (i, 0)),
            full((d, 2 * d)),
            full((1, 2 * d)),
            full((1, 2 * d)),
            full((1, 2 * d)),
            full((2 * d, d)),
            full((1, d)),
            full((1, d)),
            full((1, d)),
        ],
        out_specs=pl.BlockSpec((block_rows, d), lambda i: (i, 0)),
        out_shape=jax.ShapeDtypeStruct((n, d), jnp.float32),
    )(s, x, W1, b1.reshape(1, -1), bn_gamma.reshape(1, -1),
      bn_beta.reshape(1, -1), W2, b2.reshape(1, -1),
      ln_gamma.reshape(1, -1), ln_beta.reshape(1, -1))


def kernel(x, edge_index, W1, b1, bn_gamma, bn_beta, W2, b2, ln_gamma, ln_beta):
    n, d = x.shape
    e = edge_index.shape[1]

    p_tab, pm_tab = _make_tables(x, 2000)

    k_chunks = -(-e // (_NS * _C * _G)) * _G
    e_pad = _NS * k_chunks * _C
    pad = e_pad - e
    src_p = jnp.concatenate([edge_index[0], jnp.zeros((pad,), jnp.int32)])
    dst_p = jnp.concatenate([edge_index[1], jnp.full((pad,), n, jnp.int32)])
    ei = jnp.stack([src_p, dst_p]).reshape(2, _NS, k_chunks, _C)

    s_rows = n + 8
    zeros = jnp.zeros((s_rows, d), jnp.float32)

    s = _sc_edge_phase(ei, p_tab, pm_tab, zeros, n, k_chunks, s_rows, d)

    return _dense_phase(s, x, W1, b1, bn_gamma, bn_beta, W2, b2,
                        ln_gamma, ln_beta, 2000)

# --- scband reference (transcript-rebuilt; emitter-appended) ---
"""Pipeline reference for scband-genconv-module-88364657148498 (READ-ONLY COPY).

The authoritative reference and input builder live on the scoring server;
editing this copy changes nothing except your own understanding.
"""

import jax, jax.numpy as jnp
import numpy as np

N = 10000
E = 320000
D = 128

def setup_inputs(seed: int = 0):
    key = jax.random.key(seed)
    ks = jax.random.split(key, 8)
    x = jax.random.normal(ks[0], (N, D), dtype=jnp.float32)
    edge_index = jax.random.randint(ks[1], (2, E), 0, N, dtype=jnp.int32)
    s1 = 1.0 / np.sqrt(D)
    W1 = jax.random.uniform(ks[2], (D, 2 * D), jnp.float32, -s1, s1)
    b1 = jax.random.uniform(ks[3], (2 * D,), jnp.float32, -s1, s1)
    bn_gamma = jnp.ones((2 * D,), jnp.float32)
    bn_beta = jnp.zeros((2 * D,), jnp.float32)
    s2 = 1.0 / np.sqrt(2 * D)
    W2 = jax.random.uniform(ks[4], (2 * D, D), jnp.float32, -s2, s2)
    b2 = jax.random.uniform(ks[5], (D,), jnp.float32, -s2, s2)
    ln_gamma = jnp.ones((D,), jnp.float32)
    ln_beta = jnp.zeros((D,), jnp.float32)
    return {"x": x, "edge_index": edge_index, "W1": W1, "b1": b1,
            "bn_gamma": bn_gamma, "bn_beta": bn_beta, "W2": W2, "b2": b2,
            "ln_gamma": ln_gamma, "ln_beta": ln_beta}

def reference(x, edge_index, W1, b1, bn_gamma, bn_beta, W2, b2, ln_gamma, ln_beta):
    # GENConv (PyG defaults: aggr='softmax', t=1.0, eps=1e-7, num_layers=2,
    # expansion=2, norm='batch' in eval mode with fresh running stats)
    src = edge_index[0]
    dst = edge_index[1]
    n = x.shape[0]
    # message: relu(x_j) + eps  (no edge_attr)
    msg = jax.nn.relu(jnp.take(x, src, axis=0)) + 1e-7
    # softmax aggregation over incoming edges per destination node (t=1.0)
    mx = jax.ops.segment_max(msg, dst, num_segments=n)
    mx = jnp.where(jnp.isfinite(mx), mx, 0.0)
    alpha = jnp.exp(msg - jnp.take(mx, dst, axis=0))
    denom = jax.ops.segment_sum(alpha, dst, num_segments=n)
    w = alpha / jnp.take(denom, dst, axis=0)
    aggr = jax.ops.segment_sum(w * msg, dst, num_segments=n)
    out = aggr + x
    # GENConv MLP: Linear(D, 2D) -> BatchNorm (eval, running mean=0 var=1) -> ReLU -> Linear(2D, D)
    h = out @ W1 + b1
    h = (h / jnp.sqrt(1.0 + 1e-5)) * bn_gamma + bn_beta
    h = jax.nn.relu(h)
    h = h @ W2 + b2
    # outer LayerNorm
    mu = jnp.mean(h, axis=-1, keepdims=True)
    var = jnp.var(h, axis=-1, keepdims=True)
    h = (h - mu) / jnp.sqrt(var + 1e-5) * ln_gamma + ln_beta
    # ReLU, dropout is identity in eval
    h = jax.nn.relu(h)
    return h

if __name__ == "__main__":
    import jax
    _d = setup_inputs()
    print(jax.jit(kernel)(*tuple(_d.values())))

</pallas_src>

<mosaic_0001>
#map = affine_map<(d0, d1) -> (0, 0, 0, 0)>
#map1 = affine_map<(d0, d1) -> (0, 0)>
#map2 = affine_map<(d0, d1) -> (0, 0, 0)>
module attributes {stable_mosaic.version = 14 : i64} {
  func.func @edge_kernel(%arg0: i32, %arg1: i32, %arg2: memref<2x16x160x128xi32, #tpu.memory_space<hbm>>, %arg3: memref<10000x128xf32, #tpu.memory_space<hbm>>, %arg4: memref<10000x128xf32, #tpu.memory_space<hbm>>, %arg5: memref<10008x128xf32, #tpu.memory_space<hbm>>, %arg6: memref<2x10000x128xf32, #tpu.memory_space<hbm>>, %arg7: memref<40x128xi32, #tpu.memory_space<vmem>>, %arg8: memref<40x128xi32, #tpu.memory_space<vmem>>, %arg9: memref<128x128xf32, #tpu.memory_space<vmem>>, %arg10: memref<128x128xf32, #tpu.memory_space<vmem>>, %arg11: memref<10008x128xf32, #tpu.memory_space<vmem_shared>>, %arg12: memref<!tpu.dma_semaphore, #tpu.memory_space<semaphore_mem>>, %arg13: memref<!tpu.dma_semaphore, #tpu.memory_space<semaphore_mem>>) attributes {dimension_semantics = [#tpu.dimension_semantics<core_parallel>, #tpu.dimension_semantics<subcore_parallel>], iteration_bounds = array<i64: 2, 16>, scalar_prefetch = 0 : i64, scratch_operands = 7 : i64, tpu.core_type = #tpu.core_type<sc_vector_subcore>, window_params = [{transform_indices = #map}, {transform_indices = #map1}, {transform_indices = #map1}, {transform_indices = #map1}, {transform_indices = #map2}]} {
    %eq3A = arith.constant 0 : i32
    %eq3A_0 = arith.cmpi eq, %arg1, %eq3A : i32
    %convert_element_type3A = arith.extui %eq3A_0 : i1 to i32
    %cond3A = arith.constant 0 : i32
    %cond3A_1 = arith.cmpi ne, %convert_element_type3A, %cond3A : i32
    scf.if %cond3A_1 {
      "tpu.region"() ({
        %run_scoped3A = tpu.sem_alloc : memref<!tpu.dma_semaphore, #tpu.memory_space<semaphore_mem>>
        tpu.enqueue_dma source(%arg5 : memref<10008x128xf32, #tpu.memory_space<hbm>>) target(%arg11 : memref<10008x128xf32, #tpu.memory_space<vmem_shared>>) target_semaphore(%run_scoped3A : memref<!tpu.dma_semaphore, #tpu.memory_space<semaphore_mem>>)
        tpu.wait_dma2 semaphore(%run_scoped3A : memref<!tpu.dma_semaphore, #tpu.memory_space<semaphore_mem>>) src(%arg5 : memref<10008x128xf32, #tpu.memory_space<hbm>>) dst(%arg11 : memref<10008x128xf32, #tpu.memory_space<vmem_shared>>)
        tpu.yield
      }) : () -> ()
    } else {
    }
    %barrier3A = arith.constant 0 : index
    tpu.barrier barrier_id(%barrier3A)
    %eq3A_2 = arith.constant 0 : i32
    %eq3A_3 = arith.cmpi eq, %arg0, %eq3A_2 : i32
    %convert_element_type3A_4 = arith.extui %eq3A_3 : i1 to i32
    %cond3A_5 = arith.constant 0 : i32
    %cond3A_6 = arith.cmpi ne, %convert_element_type3A_4, %cond3A_5 : i32
    scf.if %cond3A_6 {
      %scan3A = arith.constant 0 : i32
      %scan3A_18 = arith.constant 0 : i32
      %scan3A_19 = arith.constant 4 : i32
      %scan3A_20 = arith.addi %scan3A_18, %scan3A_19 : i32
      %scan3A_21 = arith.constant 1 : i32
      scf.for %scan3A_23 = %scan3A_18 to %scan3A_20 step %scan3A_21  : i32 {
        %mul3A = arith.constant 40 : i32
        %mul3A_24 = arith.muli %scan3A_23, %mul3A : i32
        %run_scoped3A = arith.constant 0 : i32
        "tpu.region"() ({
          %run_scoped3A_47 = tpu.sem_alloc : memref<!tpu.dma_semaphore, #tpu.memory_space<semaphore_mem>>
          %dma_start3A_48 = arith.constant 0 : i32
          %dma_start3A_49 = tpu.memref_slice %arg2[%run_scoped3A, %arg1, %mul3A_24, %dma_start3A_48] : memref<2x16x160x128xi32, #tpu.memory_space<hbm>> -> memref<1x1x40x128xi32, #tpu.memory_space<hbm>>
          %dma_start3A_50 = tpu.memref_squeeze %dma_start3A_49 : memref<1x1x40x128xi32, #tpu.memory_space<hbm>> -> memref<40x128xi32, #tpu.memory_space<hbm>>
          %dma_start3A_51 = arith.constant 0 : i32
          %dma_start3A_52 = tpu.memref_slice %arg2[%run_scoped3A, %arg1, %mul3A_24, %dma_start3A_51] : memref<2x16x160x128xi32, #tpu.memory_space<hbm>> -> memref<1x1x40x128xi32, #tpu.memory_space<hbm>>
          %dma_start3A_53 = tpu.memref_squeeze %dma_start3A_52 : memref<1x1x40x128xi32, #tpu.memory_space<hbm>> -> memref<40x128xi32, #tpu.memory_space<hbm>>
          tpu.enqueue_dma source(%dma_start3A_53 : memref<40x128xi32, #tpu.memory_space<hbm>>) target(%arg7 : memref<40x128xi32, #tpu.memory_space<vmem>>) target_semaphore(%run_scoped3A_47 : memref<!tpu.dma_semaphore, #tpu.memory_space<semaphore_mem>>)
          %dma_wait3A = arith.constant 0 : i32
          %dma_wait3A_54 = tpu.memref_slice %arg2[%run_scoped3A, %arg1, %mul3A_24, %dma_wait3A] : memref<2x16x160x128xi32, #tpu.memory_space<hbm>> -> memref<1x1x40x128xi32, #tpu.memory_space<hbm>>
          %dma_wait3A_55 = tpu.memref_squeeze %dma_wait3A_54 : memref<1x1x40x128xi32, #tpu.memory_space<hbm>> -> memref<40x128xi32, #tpu.memory_space<hbm>>
          %dma_wait3A_56 = arith.constant 0 : i32
          %dma_wait3A_57 = tpu.memref_slice %arg2[%run_scoped3A, %arg1, %mul3A_24, %dma_wait3A_56] : memref<2x16x160x128xi32, #tpu.memory_space<hbm>> -> memref<1x1x40x128xi32, #tpu.memory_space<hbm>>
          %dma_wait3A_58 = tpu.memref_squeeze %dma_wait3A_57 : memref<1x1x40x128xi32, #tpu.memory_space<hbm>> -> memref<40x128xi32, #tpu.memory_space<hbm>>
          tpu.wait_dma2 semaphore(%run_scoped3A_47 : memref<!tpu.dma_semaphore, #tpu.memory_space<semaphore_mem>>) src(%dma_wait3A_58 : memref<40x128xi32, #tpu.memory_space<hbm>>) dst(%arg7 : memref<40x128xi32, #tpu.memory_space<vmem>>)
          tpu.yield
        }) : () -> ()
        %mul3A_25 = arith.constant 40 : i32
        %mul3A_26 = arith.muli %scan3A_23, %mul3A_25 : i32
        %run_scoped3A_27 = arith.constant 1 : i32
        "tpu.region"() ({
          %run_scoped3A_47 = tpu.sem_alloc : memref<!tpu.dma_semaphore, #tpu.memory_space<semaphore_mem>>
          %dma_start3A_48 = arith.constant 0 : i32
          %dma_start3A_49 = tpu.memref_slice %arg2[%run_scoped3A_27, %arg1, %mul3A_26, %dma_start3A_48] : memref<2x16x160x128xi32, #tpu.memory_space<hbm>> -> memref<1x1x40x128xi32, #tpu.memory_space<hbm>>
          %dma_start3A_50 = tpu.memref_squeeze %dma_start3A_49 : memref<1x1x40x128xi32, #tpu.memory_space<hbm>> -> memref<40x128xi32, #tpu.memory_space<hbm>>
          %dma_start3A_51 = arith.constant 0 : i32
          %dma_start3A_52 = tpu.memref_slice %arg2[%run_scoped3A_27, %arg1, %mul3A_26, %dma_start3A_51] : memref<2x16x160x128xi32, #tpu.memory_space<hbm>> -> memref<1x1x40x128xi32, #tpu.memory_space<hbm>>
          %dma_start3A_53 = tpu.memref_squeeze %dma_start3A_52 : memref<1x1x40x128xi32, #tpu.memory_space<hbm>> -> memref<40x128xi32, #tpu.memory_space<hbm>>
          tpu.enqueue_dma source(%dma_start3A_53 : memref<40x128xi32, #tpu.memory_space<hbm>>) target(%arg8 : memref<40x128xi32, #tpu.memory_space<vmem>>) target_semaphore(%run_scoped3A_47 : memref<!tpu.dma_semaphore, #tpu.memory_space<semaphore_mem>>)
          %dma_wait3A = arith.constant 0 : i32
          %dma_wait3A_54 = tpu.memref_slice %arg2[%run_scoped3A_27, %arg1, %mul3A_26, %dma_wait3A] : memref<2x16x160x128xi32, #tpu.memory_space<hbm>> -> memref<1x1x40x128xi32, #tpu.memory_space<hbm>>
          %dma_wait3A_55 = tpu.memref_squeeze %dma_wait3A_54 : memref<1x1x40x128xi32, #tpu.memory_space<hbm>> -> memref<40x128xi32, #tpu.memory_space<hbm>>
          %dma_wait3A_56 = arith.constant 0 : i32
          %dma_wait3A_57 = tpu.memref_slice %arg2[%run_scoped3A_27, %arg1, %mul3A_26, %dma_wait3A_56] : memref<2x16x160x128xi32, #tpu.memory_space<hbm>> -> memref<1x1x40x128xi32, #tpu.memory_space<hbm>>
          %dma_wait3A_58 = tpu.memref_squeeze %dma_wait3A_57 : memref<1x1x40x128xi32, #tpu.memory_space<hbm>> -> memref<40x128xi32, #tpu.memory_space<hbm>>
          tpu.wait_dma2 semaphore(%run_scoped3A_47 : memref<!tpu.dma_semaphore, #tpu.memory_space<semaphore_mem>>) src(%dma_wait3A_58 : memref<40x128xi32, #tpu.memory_space<hbm>>) dst(%arg8 : memref<40x128xi32, #tpu.memory_space<vmem>>)
          tpu.yield
        }) : () -> ()
        %dma_start3A = arith.constant 0 : i32
        %dma_start3A_28 = arith.constant 0 : i32
        %dma_start3A_29 = tpu.memref_slice %arg7[%dma_start3A, %dma_start3A_28] : memref<40x128xi32, #tpu.memory_space<vmem>> -> memref<1x128xi32, #tpu.memory_space<vmem>>
        %dma_start3A_30 = tpu.memref_squeeze %dma_start3A_29 : memref<1x128xi32, #tpu.memory_space<vmem>> -> memref<128xi32, #tpu.memory_space<vmem>>
        %dma_start3A_31 = arith.constant 0 : i32
        %dma_start3A_32 = arith.constant 0 : i32
        %dma_start3A_33 = tpu.memref_slice %arg3[%dma_start3A_31, %dma_start3A_32] : memref<10000x128xf32, #tpu.memory_space<hbm>> -> memref<10000x128xf32, #tpu.memory_space<hbm>>
        tpu.enqueue_indirect_dma source(%dma_start3A_33 : memref<10000x128xf32, #tpu.memory_space<hbm>>) target(%arg9 : memref<128x128xf32, #tpu.memory_space<vmem>>) offsets(%dma_start3A_30 : memref<128xi32, #tpu.memory_space<vmem>>) semaphore(%arg12 : memref<!tpu.dma_semaphore, #tpu.memory_space<semaphore_mem>>)
        %dma_start3A_34 = arith.constant 1 : i32
        %dma_start3A_35 = arith.constant 0 : i32
        %dma_start3A_36 = tpu.memref_slice %arg7[%dma_start3A_34, %dma_start3A_35] : memref<40x128xi32, #tpu.memory_space<vmem>> -> memref<1x128xi32, #tpu.memory_space<vmem>>
        %dma_start3A_37 = tpu.memref_squeeze %dma_start3A_36 : memref<1x128xi32, #tpu.memory_space<vmem>> -> memref<128xi32, #tpu.memory_space<vmem>>
        %dma_start3A_38 = arith.constant 0 : i32
        %dma_start3A_39 = arith.constant 0 : i32
        %dma_start3A_40 = tpu.memref_slice %arg3[%dma_start3A_38, %dma_start3A_39] : memref<10000x128xf32, #tpu.memory_space<hbm>> -> memref<10000x128xf32, #tpu.memory_space<hbm>>
        tpu.enqueue_indirect_dma source(%dma_start3A_40 : memref<10000x128xf32, #tpu.memory_space<hbm>>) target(%arg10 : memref<128x128xf32, #tpu.memory_space<vmem>>) offsets(%dma_start3A_37 : memref<128xi32, #tpu.memory_space<vmem>>) semaphore(%arg13 : memref<!tpu.dma_semaphore, #tpu.memory_space<semaphore_mem>>)
        %scan3A_41 = arith.constant 0 : i32
        %scan3A_42 = arith.constant 0 : i32
        %scan3A_43 = arith.constant 20 : i32
        %scan3A_44 = arith.addi %scan3A_42, %scan3A_43 : i32
        %scan3A_45 = arith.constant 1 : i32
        scf.for %scan3A_47 = %scan3A_42 to %scan3A_44 step %scan3A_45  : i32 {
          %mul3A_48 = arith.constant 2 : i32
          %mul3A_49 = arith.muli %mul3A_48, %scan3A_47 : i32
          %dma_wait3A = arith.constant 0 : i32
          %dma_wait3A_50 = arith.constant 0 : i32
          %dma_wait3A_51 = tpu.memref_slice %arg3[%dma_wait3A, %dma_wait3A_50] : memref<10000x128xf32, #tpu.memory_space<hbm>> -> memref<128x128xf32, #tpu.memory_space<hbm>>
          %dma_wait3A_52 = arith.constant 0 : i32
          %dma_wait3A_53 = arith.constant 0 : i32
          %dma_wait3A_54 = tpu.memref_slice %arg3[%dma_wait3A_52, %dma_wait3A_53] : memref<10000x128xf32, #tpu.memory_space<hbm>> -> memref<128x128xf32, #tpu.memory_space<hbm>>
          tpu.wait_dma2 semaphore(%arg12 : memref<!tpu.dma_semaphore, #tpu.memory_space<semaphore_mem>>) src(%dma_wait3A_54 : memref<128x128xf32, #tpu.memory_space<hbm>>) dst(%arg9 : memref<128x128xf32, #tpu.memory_space<vmem>>)
          "tpu.region"() ({
            %run_scoped3A_71 = tpu.sem_alloc : memref<!tpu.dma_semaphore, #tpu.memory_space<semaphore_mem>>
            %dma_start3A_72 = arith.constant 0 : i32
            %dma_start3A_73 = tpu.memref_slice %arg8[%mul3A_49, %dma_start3A_72] : memref<40x128xi32, #tpu.memory_space<vmem>> -> memref<1x128xi32, #tpu.memory_space<vmem>>
            %dma_start3A_74 = tpu.memref_squeeze %dma_start3A_73 : memref<1x128xi32, #tpu.memory_space<vmem>> -> memref<128xi32, #tpu.memory_space<vmem>>
            %dma_start3A_75 = arith.constant 0 : i32
            %dma_start3A_76 = arith.constant 0 : i32
            %dma_start3A_77 = tpu.memref_slice %arg11[%dma_start3A_75, %dma_start3A_76] : memref<10008x128xf32, #tpu.memory_space<vmem_shared>> -> memref<10008x128xf32, #tpu.memory_space<vmem_shared>>
            tpu.enqueue_indirect_dma source(%arg9 : memref<128x128xf32, #tpu.memory_space<vmem>>) target(%dma_start3A_77 : memref<10008x128xf32, #tpu.memory_space<vmem_shared>>) offsets(%dma_start3A_74 : memref<128xi32, #tpu.memory_space<vmem>>) semaphore(%run_scoped3A_71 : memref<!tpu.dma_semaphore, #tpu.memory_space<semaphore_mem>>) {add = true}
            %dma_wait3A_78 = arith.constant 0 : i32
            %dma_wait3A_79 = tpu.memref_slice %arg8[%mul3A_49, %dma_wait3A_78] : memref<40x128xi32, #tpu.memory_space<vmem>> -> memref<1x128xi32, #tpu.memory_space<vmem>>
            %dma_wait3A_80 = tpu.memref_squeeze %dma_wait3A_79 : memref<1x128xi32, #tpu.memory_space<vmem>> -> memref<128xi32, #tpu.memory_space<vmem>>
            %dma_wait3A_81 = arith.constant 0 : i32
            %dma_wait3A_82 = arith.constant 0 : i32
            %dma_wait3A_83 = tpu.memref_slice %arg11[%dma_wait3A_81, %dma_wait3A_82] : memref<10008x128xf32, #tpu.memory_space<vmem_shared>> -> memref<10008x128xf32, #tpu.memory_space<vmem_shared>>
            tpu.wait_indirect_dma semaphore(%run_scoped3A_71 : memref<!tpu.dma_semaphore, #tpu.memory_space<semaphore_mem>>) src(%arg9 : memref<128x128xf32, #tpu.memory_space<vmem>>) dst(%dma_wait3A_83 : memref<10008x128xf32, #tpu.memory_space<vmem_shared>>)
            tpu.yield
          }) : () -> ()
          %lt3A = arith.constant 19 : i32
          %lt3A_55 = arith.cmpi slt, %scan3A_47, %lt3A : i32
          %convert_element_type3A_56 = arith.extui %lt3A_55 : i1 to i32
          %cond3A_57 = arith.constant 0 : i32
          %cond3A_58 = arith.cmpi ne, %convert_element_type3A_56, %cond3A_57 : i32
          scf.if %cond3A_58 {
            %add3A_71 = arith.constant 2 : i32
            %add3A_72 = arith.addi %mul3A_49, %add3A_71 : i32
            %dma_start3A_73 = arith.constant 0 : i32
            %dma_start3A_74 = tpu.memref_slice %arg7[%add3A_72, %dma_start3A_73] : memref<40x128xi32, #tpu.memory_space<vmem>> -> memref<1x128xi32, #tpu.memory_space<vmem>>
            %dma_start3A_75 = tpu.memref_squeeze %dma_start3A_74 : memref<1x128xi32, #tpu.memory_space<vmem>> -> memref<128xi32, #tpu.memory_space<vmem>>
            %dma_start3A_76 = arith.constant 0 : i32
            %dma_start3A_77 = arith.constant 0 : i32
            %dma_start3A_78 = tpu.memref_slice %arg3[%dma_start3A_76, %dma_start3A_77] : memref<10000x128xf32, #tpu.memory_space<hbm>> -> memref<10000x128xf32, #tpu.memory_space<hbm>>
            tpu.enqueue_indirect_dma source(%dma_start3A_78 : memref<10000x128xf32, #tpu.memory_space<hbm>>) target(%arg9 : memref<128x128xf32, #tpu.memory_space<vmem>>) offsets(%dma_start3A_75 : memref<128xi32, #tpu.memory_space<vmem>>) semaphore(%arg12 : memref<!tpu.dma_semaphore, #tpu.memory_space<semaphore_mem>>)
          } else {
          }
          %dma_wait3A_59 = arith.constant 0 : i32
          %dma_wait3A_60 = arith.constant 0 : i32
          %dma_wait3A_61 = tpu.memref_slice %arg3[%dma_wait3A_59, %dma_wait3A_60] : memref<10000x128xf32, #tpu.memory_space<hbm>> -> memref<128x128xf32, #tpu.memory_space<hbm>>
          %dma_wait3A_62 = arith.constant 0 : i32
          %dma_wait3A_63 = arith.constant 0 : i32
          %dma_wait3A_64 = tpu.memref_slice %arg3[%dma_wait3A_62, %dma_wait3A_63] : memref<10000x128xf32, #tpu.memory_space<hbm>> -> memref<128x128xf32, #tpu.memory_space<hbm>>
          tpu.wait_dma2 semaphore(%arg13 : memref<!tpu.dma_semaphore, #tpu.memory_space<semaphore_mem>>) src(%dma_wait3A_64 : memref<128x128xf32, #tpu.memory_space<hbm>>) dst(%arg10 : memref<128x128xf32, #tpu.memory_space<vmem>>)
          %add3A = arith.constant 1 : i32
          %add3A_65 = arith.addi %mul3A_49, %add3A : i32
          "tpu.region"() ({
            %run_scoped3A_71 = tpu.sem_alloc : memref<!tpu.dma_semaphore, #tpu.memory_space<semaphore_mem>>
            %dma_start3A_72 = arith.constant 0 : i32
            %dma_start3A_73 = tpu.memref_slice %arg8[%add3A_65, %dma_start3A_72] : memref<40x128xi32, #tpu.memory_space<vmem>> -> memref<1x128xi32, #tpu.memory_space<vmem>>
            %dma_start3A_74 = tpu.memref_squeeze %dma_start3A_73 : memref<1x128xi32, #tpu.memory_space<vmem>> -> memref<128xi32, #tpu.memory_space<vmem>>
            %dma_start3A_75 = arith.constant 0 : i32
            %dma_start3A_76 = arith.constant 0 : i32
            %dma_start3A_77 = tpu.memref_slice %arg11[%dma_start3A_75, %dma_start3A_76] : memref<10008x128xf32, #tpu.memory_space<vmem_shared>> -> memref<10008x128xf32, #tpu.memory_space<vmem_shared>>
            tpu.enqueue_indirect_dma source(%arg10 : memref<128x128xf32, #tpu.memory_space<vmem>>) target(%dma_start3A_77 : memref<10008x128xf32, #tpu.memory_space<vmem_shared>>) offsets(%dma_start3A_74 : memref<128xi32, #tpu.memory_space<vmem>>) semaphore(%run_scoped3A_71 : memref<!tpu.dma_semaphore, #tpu.memory_space<semaphore_mem>>) {add = true}
            %dma_wait3A_78 = arith.constant 0 : i32
            %dma_wait3A_79 = tpu.memref_slice %arg8[%add3A_65, %dma_wait3A_78] : memref<40x128xi32, #tpu.memory_space<vmem>> -> memref<1x128xi32, #tpu.memory_space<vmem>>
            %dma_wait3A_80 = tpu.memref_squeeze %dma_wait3A_79 : memref<1x128xi32, #tpu.memory_space<vmem>> -> memref<128xi32, #tpu.memory_space<vmem>>
            %dma_wait3A_81 = arith.constant 0 : i32
            %dma_wait3A_82 = arith.constant 0 : i32
            %dma_wait3A_83 = tpu.memref_slice %arg11[%dma_wait3A_81, %dma_wait3A_82] : memref<10008x128xf32, #tpu.memory_space<vmem_shared>> -> memref<10008x128xf32, #tpu.memory_space<vmem_shared>>
            tpu.wait_indirect_dma semaphore(%run_scoped3A_71 : memref<!tpu.dma_semaphore, #tpu.memory_space<semaphore_mem>>) src(%arg10 : memref<128x128xf32, #tpu.memory_space<vmem>>) dst(%dma_wait3A_83 : memref<10008x128xf32, #tpu.memory_space<vmem_shared>>)
            tpu.yield
          }) : () -> ()
          %lt3A_66 = arith.constant 19 : i32
          %lt3A_67 = arith.cmpi slt, %scan3A_47, %lt3A_66 : i32
          %convert_element_type3A_68 = arith.extui %lt3A_67 : i1 to i32
          %cond3A_69 = arith.constant 0 : i32
          %cond3A_70 = arith.cmpi ne, %convert_element_type3A_68, %cond3A_69 : i32
          scf.if %cond3A_70 {
            %add3A_71 = arith.constant 3 : i32
            %add3A_72 = arith.addi %mul3A_49, %add3A_71 : i32
            %dma_start3A_73 = arith.constant 0 : i32
            %dma_start3A_74 = tpu.memref_slice %arg7[%add3A_72, %dma_start3A_73] : memref<40x128xi32, #tpu.memory_space<vmem>> -> memref<1x128xi32, #tpu.memory_space<vmem>>
            %dma_start3A_75 = tpu.memref_squeeze %dma_start3A_74 : memref<1x128xi32, #tpu.memory_space<vmem>> -> memref<128xi32, #tpu.memory_space<vmem>>
            %dma_start3A_76 = arith.constant 0 : i32
            %dma_start3A_77 = arith.constant 0 : i32
            %dma_start3A_78 = tpu.memref_slice %arg3[%dma_start3A_76, %dma_start3A_77] : memref<10000x128xf32, #tpu.memory_space<hbm>> -> memref<10000x128xf32, #tpu.memory_space<hbm>>
            tpu.enqueue_indirect_dma source(%dma_start3A_78 : memref<10000x128xf32, #tpu.memory_space<hbm>>) target(%arg10 : memref<128x128xf32, #tpu.memory_space<vmem>>) offsets(%dma_start3A_75 : memref<128xi32, #tpu.memory_space<vmem>>) semaphore(%arg13 : memref<!tpu.dma_semaphore, #tpu.memory_space<semaphore_mem>>)
          } else {
          }
        }
        %scan3A_46 = arith.constant 20 : i32
      }
      %scan3A_22 = arith.constant 4 : i32
    } else {
    }
    %eq3A_7 = arith.constant 1 : i32
    %eq3A_8 = arith.cmpi eq, %arg0, %eq3A_7 : i32
    %convert_element_type3A_9 = arith.extui %eq3A_8 : i1 to i32
    %cond3A_10 = arith.constant 0 : i32
    %cond3A_11 = arith.cmpi ne, %convert_element_type3A_9, %cond3A_10 : i32
    scf.if %cond3A_11 {
      %scan3A = arith.constant 0 : i32
      %scan3A_18 = arith.constant 0 : i32
      %scan3A_19 = arith.constant 4 : i32
      %scan3A_20 = arith.addi %scan3A_18, %scan3A_19 : i32
      %scan3A_21 = arith.constant 1 : i32
      scf.for %scan3A_23 = %scan3A_18 to %scan3A_20 step %scan3A_21  : i32 {
        %mul3A = arith.constant 40 : i32
        %mul3A_24 = arith.muli %scan3A_23, %mul3A : i32
        %run_scoped3A = arith.constant 0 : i32
        "tpu.region"() ({
          %run_scoped3A_47 = tpu.sem_alloc : memref<!tpu.dma_semaphore, #tpu.memory_space<semaphore_mem>>
          %dma_start3A_48 = arith.constant 0 : i32
          %dma_start3A_49 = tpu.memref_slice %arg2[%run_scoped3A, %arg1, %mul3A_24, %dma_start3A_48] : memref<2x16x160x128xi32, #tpu.memory_space<hbm>> -> memref<1x1x40x128xi32, #tpu.memory_space<hbm>>
          %dma_start3A_50 = tpu.memref_squeeze %dma_start3A_49 : memref<1x1x40x128xi32, #tpu.memory_space<hbm>> -> memref<40x128xi32, #tpu.memory_space<hbm>>
          %dma_start3A_51 = arith.constant 0 : i32
          %dma_start3A_52 = tpu.memref_slice %arg2[%run_scoped3A, %arg1, %mul3A_24, %dma_start3A_51] : memref<2x16x160x128xi32, #tpu.memory_space<hbm>> -> memref<1x1x40x128xi32, #tpu.memory_space<hbm>>
          %dma_start3A_53 = tpu.memref_squeeze %dma_start3A_52 : memref<1x1x40x128xi32, #tpu.memory_space<hbm>> -> memref<40x128xi32, #tpu.memory_space<hbm>>
          tpu.enqueue_dma source(%dma_start3A_53 : memref<40x128xi32, #tpu.memory_space<hbm>>) target(%arg7 : memref<40x128xi32, #tpu.memory_space<vmem>>) target_semaphore(%run_scoped3A_47 : memref<!tpu.dma_semaphore, #tpu.memory_space<semaphore_mem>>)
          %dma_wait3A = arith.constant 0 : i32
          %dma_wait3A_54 = tpu.memref_slice %arg2[%run_scoped3A, %arg1, %mul3A_24, %dma_wait3A] : memref<2x16x160x128xi32, #tpu.memory_space<hbm>> -> memref<1x1x40x128xi32, #tpu.memory_space<hbm>>
          %dma_wait3A_55 = tpu.memref_squeeze %dma_wait3A_54 : memref<1x1x40x128xi32, #tpu.memory_space<hbm>> -> memref<40x128xi32, #tpu.memory_space<hbm>>
          %dma_wait3A_56 = arith.constant 0 : i32
          %dma_wait3A_57 = tpu.memref_slice %arg2[%run_scoped3A, %arg1, %mul3A_24, %dma_wait3A_56] : memref<2x16x160x128xi32, #tpu.memory_space<hbm>> -> memref<1x1x40x128xi32, #tpu.memory_space<hbm>>
          %dma_wait3A_58 = tpu.memref_squeeze %dma_wait3A_57 : memref<1x1x40x128xi32, #tpu.memory_space<hbm>> -> memref<40x128xi32, #tpu.memory_space<hbm>>
          tpu.wait_dma2 semaphore(%run_scoped3A_47 : memref<!tpu.dma_semaphore, #tpu.memory_space<semaphore_mem>>) src(%dma_wait3A_58 : memref<40x128xi32, #tpu.memory_space<hbm>>) dst(%arg7 : memref<40x128xi32, #tpu.memory_space<vmem>>)
          tpu.yield
        }) : () -> ()
        %mul3A_25 = arith.constant 40 : i32
        %mul3A_26 = arith.muli %scan3A_23, %mul3A_25 : i32
        %run_scoped3A_27 = arith.constant 1 : i32
        "tpu.region"() ({
          %run_scoped3A_47 = tpu.sem_alloc : memref<!tpu.dma_semaphore, #tpu.memory_space<semaphore_mem>>
          %dma_start3A_48 = arith.constant 0 : i32
          %dma_start3A_49 = tpu.memref_slice %arg2[%run_scoped3A_27, %arg1, %mul3A_26, %dma_start3A_48] : memref<2x16x160x128xi32, #tpu.memory_space<hbm>> -> memref<1x1x40x128xi32, #tpu.memory_space<hbm>>
          %dma_start3A_50 = tpu.memref_squeeze %dma_start3A_49 : memref<1x1x40x128xi32, #tpu.memory_space<hbm>> -> memref<40x128xi32, #tpu.memory_space<hbm>>
          %dma_start3A_51 = arith.constant 0 : i32
          %dma_start3A_52 = tpu.memref_slice %arg2[%run_scoped3A_27, %arg1, %mul3A_26, %dma_start3A_51] : memref<2x16x160x128xi32, #tpu.memory_space<hbm>> -> memref<1x1x40x128xi32, #tpu.memory_space<hbm>>
          %dma_start3A_53 = tpu.memref_squeeze %dma_start3A_52 : memref<1x1x40x128xi32, #tpu.memory_space<hbm>> -> memref<40x128xi32, #tpu.memory_space<hbm>>
          tpu.enqueue_dma source(%dma_start3A_53 : memref<40x128xi32, #tpu.memory_space<hbm>>) target(%arg8 : memref<40x128xi32, #tpu.memory_space<vmem>>) target_semaphore(%run_scoped3A_47 : memref<!tpu.dma_semaphore, #tpu.memory_space<semaphore_mem>>)
          %dma_wait3A = arith.constant 0 : i32
          %dma_wait3A_54 = tpu.memref_slice %arg2[%run_scoped3A_27, %arg1, %mul3A_26, %dma_wait3A] : memref<2x16x160x128xi32, #tpu.memory_space<hbm>> -> memref<1x1x40x128xi32, #tpu.memory_space<hbm>>
          %dma_wait3A_55 = tpu.memref_squeeze %dma_wait3A_54 : memref<1x1x40x128xi32, #tpu.memory_space<hbm>> -> memref<40x128xi32, #tpu.memory_space<hbm>>
          %dma_wait3A_56 = arith.constant 0 : i32
          %dma_wait3A_57 = tpu.memref_slice %arg2[%run_scoped3A_27, %arg1, %mul3A_26, %dma_wait3A_56] : memref<2x16x160x128xi32, #tpu.memory_space<hbm>> -> memref<1x1x40x128xi32, #tpu.memory_space<hbm>>
          %dma_wait3A_58 = tpu.memref_squeeze %dma_wait3A_57 : memref<1x1x40x128xi32, #tpu.memory_space<hbm>> -> memref<40x128xi32, #tpu.memory_space<hbm>>
          tpu.wait_dma2 semaphore(%run_scoped3A_47 : memref<!tpu.dma_semaphore, #tpu.memory_space<semaphore_mem>>) src(%dma_wait3A_58 : memref<40x128xi32, #tpu.memory_space<hbm>>) dst(%arg8 : memref<40x128xi32, #tpu.memory_space<vmem>>)
          tpu.yield
        }) : () -> ()
        %dma_start3A = arith.constant 0 : i32
        %dma_start3A_28 = arith.constant 0 : i32
        %dma_start3A_29 = tpu.memref_slice %arg7[%dma_start3A, %dma_start3A_28] : memref<40x128xi32, #tpu.memory_space<vmem>> -> memref<1x128xi32, #tpu.memory_space<vmem>>
        %dma_start3A_30 = tpu.memref_squeeze %dma_start3A_29 : memref<1x128xi32, #tpu.memory_space<vmem>> -> memref<128xi32, #tpu.memory_space<vmem>>
        %dma_start3A_31 = arith.constant 0 : i32
        %dma_start3A_32 = arith.constant 0 : i32
        %dma_start3A_33 = tpu.memref_slice %arg4[%dma_start3A_31, %dma_start3A_32] : memref<10000x128xf32, #tpu.memory_space<hbm>> -> memref<10000x128xf32, #tpu.memory_space<hbm>>
        tpu.enqueue_indirect_dma source(%dma_start3A_33 : memref<10000x128xf32, #tpu.memory_space<hbm>>) target(%arg9 : memref<128x128xf32, #tpu.memory_space<vmem>>) offsets(%dma_start3A_30 : memref<128xi32, #tpu.memory_space<vmem>>) semaphore(%arg12 : memref<!tpu.dma_semaphore, #tpu.memory_space<semaphore_mem>>)
        %dma_start3A_34 = arith.constant 1 : i32
        %dma_start3A_35 = arith.constant 0 : i32
        %dma_start3A_36 = tpu.memref_slice %arg7[%dma_start3A_34, %dma_start3A_35] : memref<40x128xi32, #tpu.memory_space<vmem>> -> memref<1x128xi32, #tpu.memory_space<vmem>>
        %dma_start3A_37 = tpu.memref_squeeze %dma_start3A_36 : memref<1x128xi32, #tpu.memory_space<vmem>> -> memref<128xi32, #tpu.memory_space<vmem>>
        %dma_start3A_38 = arith.constant 0 : i32
        %dma_start3A_39 = arith.constant 0 : i32
        %dma_start3A_40 = tpu.memref_slice %arg4[%dma_start3A_38, %dma_start3A_39] : memref<10000x128xf32, #tpu.memory_space<hbm>> -> memref<10000x128xf32, #tpu.memory_space<hbm>>
        tpu.enqueue_indirect_dma source(%dma_start3A_40 : memref<10000x128xf32, #tpu.memory_space<hbm>>) target(%arg10 : memref<128x128xf32, #tpu.memory_space<vmem>>) offsets(%dma_start3A_37 : memref<128xi32, #tpu.memory_space<vmem>>) semaphore(%arg13 : memref<!tpu.dma_semaphore, #tpu.memory_space<semaphore_mem>>)
        %scan3A_41 = arith.constant 0 : i32
        %scan3A_42 = arith.constant 0 : i32
        %scan3A_43 = arith.constant 20 : i32
        %scan3A_44 = arith.addi %scan3A_42, %scan3A_43 : i32
        %scan3A_45 = arith.constant 1 : i32
        scf.for %scan3A_47 = %scan3A_42 to %scan3A_44 step %scan3A_45  : i32 {
          %mul3A_48 = arith.constant 2 : i32
          %mul3A_49 = arith.muli %mul3A_48, %scan3A_47 : i32
          %dma_wait3A = arith.constant 0 : i32
          %dma_wait3A_50 = arith.constant 0 : i32
          %dma_wait3A_51 = tpu.memref_slice %arg4[%dma_wait3A, %dma_wait3A_50] : memref<10000x128xf32, #tpu.memory_space<hbm>> -> memref<128x128xf32, #tpu.memory_space<hbm>>
          %dma_wait3A_52 = arith.constant 0 : i32
          %dma_wait3A_53 = arith.constant 0 : i32
          %dma_wait3A_54 = tpu.memref_slice %arg4[%dma_wait3A_52, %dma_wait3A_53] : memref<10000x128xf32, #tpu.memory_space<hbm>> -> memref<128x128xf32, #tpu.memory_space<hbm>>
          tpu.wait_dma2 semaphore(%arg12 : memref<!tpu.dma_semaphore, #tpu.memory_space<semaphore_mem>>) src(%dma_wait3A_54 : memref<128x128xf32, #tpu.memory_space<hbm>>) dst(%arg9 : memref<128x128xf32, #tpu.memory_space<vmem>>)
          "tpu.region"() ({
            %run_scoped3A_71 = tpu.sem_alloc : memref<!tpu.dma_semaphore, #tpu.memory_space<semaphore_mem>>
            %dma_start3A_72 = arith.constant 0 : i32
            %dma_start3A_73 = tpu.memref_slice %arg8[%mul3A_49, %dma_start3A_72] : memref<40x128xi32, #tpu.memory_space<vmem>> -> memref<1x128xi32, #tpu.memory_space<vmem>>
            %dma_start3A_74 = tpu.memref_squeeze %dma_start3A_73 : memref<1x128xi32, #tpu.memory_space<vmem>> -> memref<128xi32, #tpu.memory_space<vmem>>
            %dma_start3A_75 = arith.constant 0 : i32
            %dma_start3A_76 = arith.constant 0 : i32
            %dma_start3A_77 = tpu.memref_slice %arg11[%dma_start3A_75, %dma_start3A_76] : memref<10008x128xf32, #tpu.memory_space<vmem_shared>> -> memref<10008x128xf32, #tpu.memory_space<vmem_shared>>
            tpu.enqueue_indirect_dma source(%arg9 : memref<128x128xf32, #tpu.memory_space<vmem>>) target(%dma_start3A_77 : memref<10008x128xf32, #tpu.memory_space<vmem_shared>>) offsets(%dma_start3A_74 : memref<128xi32, #tpu.memory_space<vmem>>) semaphore(%run_scoped3A_71 : memref<!tpu.dma_semaphore, #tpu.memory_space<semaphore_mem>>) {add = true}
            %dma_wait3A_78 = arith.constant 0 : i32
            %dma_wait3A_79 = tpu.memref_slice %arg8[%mul3A_49, %dma_wait3A_78] : memref<40x128xi32, #tpu.memory_space<vmem>> -> memref<1x128xi32, #tpu.memory_space<vmem>>
            %dma_wait3A_80 = tpu.memref_squeeze %dma_wait3A_79 : memref<1x128xi32, #tpu.memory_space<vmem>> -> memref<128xi32, #tpu.memory_space<vmem>>
            %dma_wait3A_81 = arith.constant 0 : i32
            %dma_wait3A_82 = arith.constant 0 : i32
            %dma_wait3A_83 = tpu.memref_slice %arg11[%dma_wait3A_81, %dma_wait3A_82] : memref<10008x128xf32, #tpu.memory_space<vmem_shared>> -> memref<10008x128xf32, #tpu.memory_space<vmem_shared>>
            tpu.wait_indirect_dma semaphore(%run_scoped3A_71 : memref<!tpu.dma_semaphore, #tpu.memory_space<semaphore_mem>>) src(%arg9 : memref<128x128xf32, #tpu.memory_space<vmem>>) dst(%dma_wait3A_83 : memref<10008x128xf32, #tpu.memory_space<vmem_shared>>)
            tpu.yield
          }) : () -> ()
          %lt3A = arith.constant 19 : i32
          %lt3A_55 = arith.cmpi slt, %scan3A_47, %lt3A : i32
          %convert_element_type3A_56 = arith.extui %lt3A_55 : i1 to i32
          %cond3A_57 = arith.constant 0 : i32
          %cond3A_58 = arith.cmpi ne, %convert_element_type3A_56, %cond3A_57 : i32
          scf.if %cond3A_58 {
            %add3A_71 = arith.constant 2 : i32
            %add3A_72 = arith.addi %mul3A_49, %add3A_71 : i32
            %dma_start3A_73 = arith.constant 0 : i32
            %dma_start3A_74 = tpu.memref_slice %arg7[%add3A_72, %dma_start3A_73] : memref<40x128xi32, #tpu.memory_space<vmem>> -> memref<1x128xi32, #tpu.memory_space<vmem>>
            %dma_start3A_75 = tpu.memref_squeeze %dma_start3A_74 : memref<1x128xi32, #tpu.memory_space<vmem>> -> memref<128xi32, #tpu.memory_space<vmem>>
            %dma_start3A_76 = arith.constant 0 : i32
            %dma_start3A_77 = arith.constant 0 : i32
            %dma_start3A_78 = tpu.memref_slice %arg4[%dma_start3A_76, %dma_start3A_77] : memref<10000x128xf32, #tpu.memory_space<hbm>> -> memref<10000x128xf32, #tpu.memory_space<hbm>>
            tpu.enqueue_indirect_dma source(%dma_start3A_78 : memref<10000x128xf32, #tpu.memory_space<hbm>>) target(%arg9 : memref<128x128xf32, #tpu.memory_space<vmem>>) offsets(%dma_start3A_75 : memref<128xi32, #tpu.memory_space<vmem>>) semaphore(%arg12 : memref<!tpu.dma_semaphore, #tpu.memory_space<semaphore_mem>>)
          } else {
          }
          %dma_wait3A_59 = arith.constant 0 : i32
          %dma_wait3A_60 = arith.constant 0 : i32
          %dma_wait3A_61 = tpu.memref_slice %arg4[%dma_wait3A_59, %dma_wait3A_60] : memref<10000x128xf32, #tpu.memory_space<hbm>> -> memref<128x128xf32, #tpu.memory_space<hbm>>
          %dma_wait3A_62 = arith.constant 0 : i32
          %dma_wait3A_63 = arith.constant 0 : i32
          %dma_wait3A_64 = tpu.memref_slice %arg4[%dma_wait3A_62, %dma_wait3A_63] : memref<10000x128xf32, #tpu.memory_space<hbm>> -> memref<128x128xf32, #tpu.memory_space<hbm>>
          tpu.wait_dma2 semaphore(%arg13 : memref<!tpu.dma_semaphore, #tpu.memory_space<semaphore_mem>>) src(%dma_wait3A_64 : memref<128x128xf32, #tpu.memory_space<hbm>>) dst(%arg10 : memref<128x128xf32, #tpu.memory_space<vmem>>)
          %add3A = arith.constant 1 : i32
          %add3A_65 = arith.addi %mul3A_49, %add3A : i32
          "tpu.region"() ({
            %run_scoped3A_71 = tpu.sem_alloc : memref<!tpu.dma_semaphore, #tpu.memory_space<semaphore_mem>>
            %dma_start3A_72 = arith.constant 0 : i32
            %dma_start3A_73 = tpu.memref_slice %arg8[%add3A_65, %dma_start3A_72] : memref<40x128xi32, #tpu.memory_space<vmem>> -> memref<1x128xi32, #tpu.memory_space<vmem>>
            %dma_start3A_74 = tpu.memref_squeeze %dma_start3A_73 : memref<1x128xi32, #tpu.memory_space<vmem>> -> memref<128xi32, #tpu.memory_space<vmem>>
            %dma_start3A_75 = arith.constant 0 : i32
            %dma_start3A_76 = arith.constant 0 : i32
            %dma_start3A_77 = tpu.memref_slice %arg11[%dma_start3A_75, %dma_start3A_76] : memref<10008x128xf32, #tpu.memory_space<vmem_shared>> -> memref<10008x128xf32, #tpu.memory_space<vmem_shared>>
            tpu.enqueue_indirect_dma source(%arg10 : memref<128x128xf32, #tpu.memory_space<vmem>>) target(%dma_start3A_77 : memref<10008x128xf32, #tpu.memory_space<vmem_shared>>) offsets(%dma_start3A_74 : memref<128xi32, #tpu.memory_space<vmem>>) semaphore(%run_scoped3A_71 : memref<!tpu.dma_semaphore, #tpu.memory_space<semaphore_mem>>) {add = true}
            %dma_wait3A_78 = arith.constant 0 : i32
            %dma_wait3A_79 = tpu.memref_slice %arg8[%add3A_65, %dma_wait3A_78] : memref<40x128xi32, #tpu.memory_space<vmem>> -> memref<1x128xi32, #tpu.memory_space<vmem>>
            %dma_wait3A_80 = tpu.memref_squeeze %dma_wait3A_79 : memref<1x128xi32, #tpu.memory_space<vmem>> -> memref<128xi32, #tpu.memory_space<vmem>>
            %dma_wait3A_81 = arith.constant 0 : i32
            %dma_wait3A_82 = arith.constant 0 : i32
            %dma_wait3A_83 = tpu.memref_slice %arg11[%dma_wait3A_81, %dma_wait3A_82] : memref<10008x128xf32, #tpu.memory_space<vmem_shared>> -> memref<10008x128xf32, #tpu.memory_space<vmem_shared>>
            tpu.wait_indirect_dma semaphore(%run_scoped3A_71 : memref<!tpu.dma_semaphore, #tpu.memory_space<semaphore_mem>>) src(%arg10 : memref<128x128xf32, #tpu.memory_space<vmem>>) dst(%dma_wait3A_83 : memref<10008x128xf32, #tpu.memory_space<vmem_shared>>)
            tpu.yield
          }) : () -> ()
          %lt3A_66 = arith.constant 19 : i32
          %lt3A_67 = arith.cmpi slt, %scan3A_47, %lt3A_66 : i32
          %convert_element_type3A_68 = arith.extui %lt3A_67 : i1 to i32
          %cond3A_69 = arith.constant 0 : i32
          %cond3A_70 = arith.cmpi ne, %convert_element_type3A_68, %cond3A_69 : i32
          scf.if %cond3A_70 {
            %add3A_71 = arith.constant 3 : i32
            %add3A_72 = arith.addi %mul3A_49, %add3A_71 : i32
            %dma_start3A_73 = arith.constant 0 : i32
            %dma_start3A_74 = tpu.memref_slice %arg7[%add3A_72, %dma_start3A_73] : memref<40x128xi32, #tpu.memory_space<vmem>> -> memref<1x128xi32, #tpu.memory_space<vmem>>
            %dma_start3A_75 = tpu.memref_squeeze %dma_start3A_74 : memref<1x128xi32, #tpu.memory_space<vmem>> -> memref<128xi32, #tpu.memory_space<vmem>>
            %dma_start3A_76 = arith.constant 0 : i32
            %dma_start3A_77 = arith.constant 0 : i32
            %dma_start3A_78 = tpu.memref_slice %arg4[%dma_start3A_76, %dma_start3A_77] : memref<10000x128xf32, #tpu.memory_space<hbm>> -> memref<10000x128xf32, #tpu.memory_space<hbm>>
            tpu.enqueue_indirect_dma source(%dma_start3A_78 : memref<10000x128xf32, #tpu.memory_space<hbm>>) target(%arg10 : memref<128x128xf32, #tpu.memory_space<vmem>>) offsets(%dma_start3A_75 : memref<128xi32, #tpu.memory_space<vmem>>) semaphore(%arg13 : memref<!tpu.dma_semaphore, #tpu.memory_space<semaphore_mem>>)
          } else {
          }
        }
        %scan3A_46 = arith.constant 20 : i32
      }
      %scan3A_22 = arith.constant 4 : i32
    } else {
    }
    %barrier3A_12 = arith.constant 0 : index
    tpu.barrier barrier_id(%barrier3A_12)
    %eq3A_13 = arith.constant 0 : i32
    %eq3A_14 = arith.cmpi eq, %arg1, %eq3A_13 : i32
    %convert_element_type3A_15 = arith.extui %eq3A_14 : i1 to i32
    %cond3A_16 = arith.constant 0 : i32
    %cond3A_17 = arith.cmpi ne, %convert_element_type3A_15, %cond3A_16 : i32
    scf.if %cond3A_17 {
      "tpu.region"() ({
        %run_scoped3A = tpu.sem_alloc : memref<!tpu.dma_semaphore, #tpu.memory_space<semaphore_mem>>
        %dma_start3A = arith.constant 0 : i32
        %dma_start3A_18 = arith.constant 0 : i32
        %dma_start3A_19 = tpu.memref_slice %arg6[%arg0, %dma_start3A, %dma_start3A_18] : memref<2x10000x128xf32, #tpu.memory_space<hbm>> -> memref<1x10000x128xf32, #tpu.memory_space<hbm>>
        %dma_start3A_20 = tpu.memref_squeeze %dma_start3A_19 : memref<1x10000x128xf32, #tpu.memory_space<hbm>> -> memref<10000x128xf32, #tpu.memory_space<hbm>>
        %dma_start3A_21 = arith.constant 0 : i32
        %dma_start3A_22 = arith.constant 0 : i32
        %dma_start3A_23 = tpu.memref_slice %arg11[%dma_start3A_21, %dma_start3A_22] : memref<10008x128xf32, #tpu.memory_space<vmem_shared>> -> memref<10000x128xf32, #tpu.memory_space<vmem_shared>>
        tpu.enqueue_dma source(%dma_start3A_23 : memref<10000x128xf32, #tpu.memory_space<vmem_shared>>) target(%dma_start3A_20 : memref<10000x128xf32, #tpu.memory_space<hbm>>) target_semaphore(%run_scoped3A : memref<!tpu.dma_semaphore, #tpu.memory_space<semaphore_mem>>)
        %dma_wait3A = arith.constant 0 : i32
        %dma_wait3A_24 = arith.constant 0 : i32
        %dma_wait3A_25 = tpu.memref_slice %arg6[%arg0, %dma_wait3A, %dma_wait3A_24] : memref<2x10000x128xf32, #tpu.memory_space<hbm>> -> memref<1x10000x128xf32, #tpu.memory_space<hbm>>
        %dma_wait3A_26 = tpu.memref_squeeze %dma_wait3A_25 : memref<1x10000x128xf32, #tpu.memory_space<hbm>> -> memref<10000x128xf32, #tpu.memory_space<hbm>>
        %dma_wait3A_27 = arith.constant 0 : i32
        %dma_wait3A_28 = arith.constant 0 : i32
        %dma_wait3A_29 = tpu.memref_slice %arg11[%dma_wait3A_27, %dma_wait3A_28] : memref<10008x128xf32, #tpu.memory_space<vmem_shared>> -> memref<10000x128xf32, #tpu.memory_space<vmem_shared>>
        tpu.wait_dma2 semaphore(%run_scoped3A : memref<!tpu.dma_semaphore, #tpu.memory_space<semaphore_mem>>) src(%dma_wait3A_29 : memref<10000x128xf32, #tpu.memory_space<vmem_shared>>) dst(%dma_wait3A_26 : memref<10000x128xf32, #tpu.memory_space<hbm>>)
        tpu.yield
      }) : () -> ()
    } else {
    }
    return
  }
}

module attributes {stable_mosaic.version = 14 : i64} {
  func.func @_tables_body(%arg0: i32, %arg1: memref<2000x128xf32, #tpu.memory_space<vmem>>, %arg2: memref<2000x128xf32, #tpu.memory_space<vmem>>, %arg3: memref<2000x128xf32, #tpu.memory_space<vmem>>) attributes {dimension_semantics = [#tpu.dimension_semantics<arbitrary>], iteration_bounds = array<i64: 5>, scalar_prefetch = 0 : i64, scratch_operands = 0 : i64, tpu.core_type = #tpu.core_type<tc>, window_params = [{transform_indices = @transform_0, window_bounds = array<i64: 2000, 128>}, {transform_indices = @transform_1, window_bounds = array<i64: 2000, 128>}, {transform_indices = @transform_2, window_bounds = array<i64: 2000, 128>}]} {
    %get3A = arith.constant 0 : index
    %get3A_0 = arith.constant 0 : index
    %get3A_1 = vector.load %arg1[%get3A, %get3A_0] : memref<2000x128xf32, #tpu.memory_space<vmem>>, vector<2000x128xf32>
    %max3A = arith.constant 0.000000e+00 : f32
    %max3A_2 = vector.broadcast %max3A : f32 to vector<2000x128xf32>
    %max3A_3 = arith.maximumf %get3A_1, %max3A_2 : vector<2000x128xf32>
    %add3A = arith.constant 1.000000e-07 : f32
    %add3A_4 = vector.broadcast %add3A : f32 to vector<2000x128xf32>
    %add3A_5 = arith.addf %max3A_3, %add3A_4 : vector<2000x128xf32>
    %exp3A = math.exp %add3A_5 : vector<2000x128xf32>
    %swap3A = arith.constant 0 : index
    %swap3A_6 = arith.constant 0 : index
    %swap3A_7 = vector.load %arg2[%swap3A, %swap3A_6] : memref<2000x128xf32, #tpu.memory_space<vmem>>, vector<2000x128xf32>
    tpu.vector_store %arg2[%swap3A, %swap3A_6], %exp3A {strides = array<i32>} : memref<2000x128xf32, #tpu.memory_space<vmem>>, vector<2000x128xf32>,
    %mul3A = arith.mulf %exp3A, %add3A_5 : vector<2000x128xf32>
    %swap3A_8 = arith.constant 0 : index
    %swap3A_9 = arith.constant 0 : index
    %swap3A_10 = vector.load %arg3[%swap3A_8, %swap3A_9] : memref<2000x128xf32, #tpu.memory_space<vmem>>, vector<2000x128xf32>
    tpu.vector_store %arg3[%swap3A_8, %swap3A_9], %mul3A {strides = array<i32>} : memref<2000x128xf32, #tpu.memory_space<vmem>>, vector<2000x128xf32>,
    return
  }
  func.func @transform_0(%arg0: i32) -> (i32, i32) {
    %c0_i32 = arith.constant 0 : i32
    %c0_i32_0 = arith.constant 0 : i32
    return %arg0, %c0_i32 : i32, i32
  }
  func.func @transform_1(%arg0: i32) -> (i32, i32) {
    %c0_i32 = arith.constant 0 : i32
    %c0_i32_0 = arith.constant 0 : i32
    return %arg0, %c0_i32 : i32, i32
  }
  func.func @transform_2(%arg0: i32) -> (i32, i32) {
    %c0_i32 = arith.constant 0 : i32
    %c0_i32_0 = arith.constant 0 : i32
    return %arg0, %c0_i32 : i32, i32
  }
}

module attributes {stable_mosaic.version = 14 : i64} {
  func.func @_dense_body(%arg0: i32, %arg1: memref<2x2000x128xf32, #tpu.memory_space<vmem>>, %arg2: memref<2000x128xf32, #tpu.memory_space<vmem>>, %arg3: memref<128x256xf32, #tpu.memory_space<vmem>>, %arg4: memref<1x256xf32, #tpu.memory_space<vmem>>, %arg5: memref<1x256xf32, #tpu.memory_space<vmem>>, %arg6: memref<1x256xf32, #tpu.memory_space<vmem>>, %arg7: memref<256x128xf32, #tpu.memory_space<vmem>>, %arg8: memref<1x128xf32, #tpu.memory_space<vmem>>, %arg9: memref<1x128xf32, #tpu.memory_space<vmem>>, %arg10: memref<1x128xf32, #tpu.memory_space<vmem>>, %arg11: memref<2000x128xf32, #tpu.memory_space<vmem>>) attributes {dimension_semantics = [#tpu.dimension_semantics<arbitrary>], iteration_bounds = array<i64: 5>, scalar_prefetch = 0 : i64, scratch_operands = 0 : i64, tpu.core_type = #tpu.core_type<tc>, window_params = [{transform_indices = @transform_0, window_bounds = array<i64: 2, 2000, 128>}, {transform_indices = @transform_1, window_bounds = array<i64: 2000, 128>}, {pipeline_mode = #tpu.pipeline_mode<synchronous>, transform_indices = @transform_2, window_bounds = array<i64: 128, 256>}, {pipeline_mode = #tpu.pipeline_mode<synchronous>, transform_indices = @transform_3, window_bounds = array<i64: 1, 256>}, {pipeline_mode = #tpu.pipeline_mode<synchronous>, transform_indices = @transform_4, window_bounds = array<i64: 1, 256>}, {pipeline_mode = #tpu.pipeline_mode<synchronous>, transform_indices = @transform_5, window_bounds = array<i64: 1, 256>}, {pipeline_mode = #tpu.pipeline_mode<synchronous>, transform_indices = @transform_6, window_bounds = array<i64: 256, 128>}, {pipeline_mode = #tpu.pipeline_mode<synchronous>, transform_indices = @transform_7, window_bounds = array<i64: 1, 128>}, {pipeline_mode = #tpu.pipeline_mode<synchronous>, transform_indices = @transform_8, window_bounds = array<i64: 1, 128>}, {pipeline_mode = #tpu.pipeline_mode<synchronous>, transform_indices = @transform_9, window_bounds = array<i64: 1, 128>}, {transform_indices = @transform_10, window_bounds = array<i64: 2000, 128>}]} {
    %get3A = arith.constant 0 : index
    %get3A_0 = arith.constant 0 : index
    %get3A_1 = arith.constant 0 : index
    %get3A_2 = vector.load %arg1[%get3A, %get3A_0, %get3A_1] : memref<2x2000x128xf32, #tpu.memory_space<vmem>>, vector<1x2000x128xf32>
    %get3A_3 = vector.shape_cast %get3A_2 : vector<1x2000x128xf32> to vector<2000x128xf32>
    %get3A_4 = arith.constant 1 : index
    %get3A_5 = arith.constant 0 : index
    %get3A_6 = arith.constant 0 : index
    %get3A_7 = vector.load %arg1[%get3A_4, %get3A_5, %get3A_6] : memref<2x2000x128xf32, #tpu.memory_space<vmem>>, vector<1x2000x128xf32>
    %get3A_8 = vector.shape_cast %get3A_7 : vector<1x2000x128xf32> to vector<2000x128xf32>
    %gt3A = arith.constant 0.000000e+00 : f32
    %gt3A_9 = vector.broadcast %gt3A : f32 to vector<2000x128xf32>
    %gt3A_10 = arith.cmpf ogt, %get3A_3, %gt3A_9 : vector<2000x128xf32>
    %div3A = arith.divf %get3A_8, %get3A_3 : vector<2000x128xf32>
    %jit3A = arith.constant 0.000000e+00 : f32
    %broadcast_in_dim3A = vector.broadcast %jit3A : f32 to vector<2000x128xf32>
    %select_n3A = arith.select %gt3A_10, %div3A, %broadcast_in_dim3A : vector<2000x128xi1>, vector<2000x128xf32>
    %get3A_11 = arith.constant 0 : index
    %get3A_12 = arith.constant 0 : index
    %get3A_13 = vector.load %arg2[%get3A_11, %get3A_12] : memref<2000x128xf32, #tpu.memory_space<vmem>>, vector<2000x128xf32>
    %add3A = arith.addf %select_n3A, %get3A_13 : vector<2000x128xf32>
    %get3A_14 = arith.constant 0 : index
    %get3A_15 = arith.constant 0 : index
    %get3A_16 = vector.load %arg3[%get3A_14, %get3A_15] : memref<128x256xf32, #tpu.memory_space<vmem>>, vector<128x256xf32>
    %dot_general3A = arith.constant dense<0.000000e+00> : vector<2000x256xf32>
    %dot_general3A_17 = tpu.matmul %add3A, %get3A_16, %dot_general3A {dimension_numbers = #tpu.dot_dimension_numbers<[1], [0], [0], [1], [0, 0, 1, 1], [], []>, transpose_lhs_hint = false} : vector<2000x128xf32>, vector<128x256xf32>, vector<2000x256xf32> -> vector<2000x256xf32>
    %get3A_18 = arith.constant 0 : index
    %get3A_19 = arith.constant 0 : index
    %get3A_20 = vector.load %arg4[%get3A_18, %get3A_19] : memref<1x256xf32, #tpu.memory_space<vmem>>, vector<1x256xf32>
    %add3A_21 = vector.broadcast %get3A_20 : vector<1x256xf32> to vector<2000x256xf32>
    %add3A_22 = arith.addf %dot_general3A_17, %add3A_21 : vector<2000x256xf32>
    %get3A_23 = arith.constant 0 : index
    %get3A_24 = arith.constant 0 : index
    %get3A_25 = vector.load %arg5[%get3A_23, %get3A_24] : memref<1x256xf32, #tpu.memory_space<vmem>>, vector<1x256xf32>
    %mul3A = arith.constant 0.999994993 : f32
    %mul3A_26 = vector.broadcast %mul3A : f32 to vector<1x256xf32>
    %mul3A_27 = arith.mulf %get3A_25, %mul3A_26 : vector<1x256xf32>
    %mul3A_28 = vector.broadcast %mul3A_27 : vector<1x256xf32> to vector<2000x256xf32>
    %mul3A_29 = arith.mulf %add3A_22, %mul3A_28 : vector<2000x256xf32>
    %get3A_30 = arith.constant 0 : index
    %get3A_31 = arith.constant 0 : index
    %get3A_32 = vector.load %arg6[%get3A_30, %get3A_31] : memref<1x256xf32, #tpu.memory_space<vmem>>, vector<1x256xf32>
    %add3A_33 = vector.broadcast %get3A_32 : vector<1x256xf32> to vector<2000x256xf32>
    %add3A_34 = arith.addf %mul3A_29, %add3A_33 : vector<2000x256xf32>
    %max3A = arith.constant 0.000000e+00 : f32
    %max3A_35 = vector.broadcast %max3A : f32 to vector<2000x256xf32>
    %max3A_36 = arith.maximumf %add3A_34, %max3A_35 : vector<2000x256xf32>
    %get3A_37 = arith.constant 0 : index
    %get3A_38 = arith.constant 0 : index
    %get3A_39 = vector.load %arg7[%get3A_37, %get3A_38] : memref<256x128xf32, #tpu.memory_space<vmem>>, vector<256x128xf32>
    %dot_general3A_40 = arith.constant dense<0.000000e+00> : vector<2000x128xf32>
    %dot_general3A_41 = tpu.matmul %max3A_36, %get3A_39, %dot_general3A_40 {dimension_numbers = #tpu.dot_dimension_numbers<[1], [0], [0], [1], [0, 0, 1, 1], [], []>, transpose_lhs_hint = false} : vector<2000x256xf32>, vector<256x128xf32>, vector<2000x128xf32> -> vector<2000x128xf32>
    %get3A_42 = arith.constant 0 : index
    %get3A_43 = arith.constant 0 : index
    %get3A_44 = vector.load %arg8[%get3A_42, %get3A_43] : memref<1x128xf32, #tpu.memory_space<vmem>>, vector<1x128xf32>
    %add3A_45 = vector.broadcast %get3A_44 : vector<1x128xf32> to vector<2000x128xf32>
    %add3A_46 = arith.addf %dot_general3A_41, %add3A_45 : vector<2000x128xf32>
    %reduce_sum3A = arith.constant dense<0.000000e+00> : vector<2000xf32>
    %reduce_sum3A_47 = vector.multi_reduction <add>, %add3A_46, %reduce_sum3A [1] : vector<2000x128xf32> to vector<2000xf32>
    %broadcast_in_dim3A_48 = vector.shape_cast %reduce_sum3A_47 : vector<2000xf32> to vector<2000x1xf32>
    %div3A_49 = arith.constant 1.280000e+02 : f32
    %div3A_50 = vector.broadcast %div3A_49 : f32 to vector<2000x1xf32>
    %div3A_51 = arith.divf %broadcast_in_dim3A_48, %div3A_50 : vector<2000x1xf32>
    %sub3A = vector.broadcast %div3A_51 : vector<2000x1xf32> to vector<2000x128xf32>
    %sub3A_52 = arith.subf %add3A_46, %sub3A : vector<2000x128xf32>
    %integer_pow3A = arith.mulf %sub3A_52, %sub3A_52 : vector<2000x128xf32>
    %reduce_sum3A_53 = arith.constant dense<0.000000e+00> : vector<2000xf32>
    %reduce_sum3A_54 = vector.multi_reduction <add>, %integer_pow3A, %reduce_sum3A_53 [1] : vector<2000x128xf32> to vector<2000xf32>
    %broadcast_in_dim3A_55 = vector.shape_cast %reduce_sum3A_54 : vector<2000xf32> to vector<2000x1xf32>
    %div3A_56 = arith.constant 1.280000e+02 : f32
    %div3A_57 = vector.broadcast %div3A_56 : f32 to vector<2000x1xf32>
    %div3A_58 = arith.divf %broadcast_in_dim3A_55, %div3A_57 : vector<2000x1xf32>
    %sub3A_59 = vector.broadcast %div3A_51 : vector<2000x1xf32> to vector<2000x128xf32>
    %sub3A_60 = arith.subf %add3A_46, %sub3A_59 : vector<2000x128xf32>
    %add3A_61 = arith.constant 9.99999974E-6 : f32
    %add3A_62 = vector.broadcast %add3A_61 : f32 to vector<2000x1xf32>
    %add3A_63 = arith.addf %div3A_58, %add3A_62 : vector<2000x1xf32>
    %rsqrt3A = math.rsqrt %add3A_63 : vector<2000x1xf32>
    %mul3A_64 = vector.broadcast %rsqrt3A : vector<2000x1xf32> to vector<2000x128xf32>
    %mul3A_65 = arith.mulf %sub3A_60, %mul3A_64 : vector<2000x128xf32>
    %get3A_66 = arith.constant 0 : index
    %get3A_67 = arith.constant 0 : index
    %get3A_68 = vector.load %arg9[%get3A_66, %get3A_67] : memref<1x128xf32, #tpu.memory_space<vmem>>, vector<1x128xf32>
    %mul3A_69 = vector.broadcast %get3A_68 : vector<1x128xf32> to vector<2000x128xf32>
    %mul3A_70 = arith.mulf %mul3A_65, %mul3A_69 : vector<2000x128xf32>
    %get3A_71 = arith.constant 0 : index
    %get3A_72 = arith.constant 0 : index
    %get3A_73 = vector.load %arg10[%get3A_71, %get3A_72] : memref<1x128xf32, #tpu.memory_space<vmem>>, vector<1x128xf32>
    %add3A_74 = vector.broadcast %get3A_73 : vector<1x128xf32> to vector<2000x128xf32>
    %add3A_75 = arith.addf %mul3A_70, %add3A_74 : vector<2000x128xf32>
    %max3A_76 = arith.constant 0.000000e+00 : f32
    %max3A_77 = vector.broadcast %max3A_76 : f32 to vector<2000x128xf32>
    %max3A_78 = arith.maximumf %add3A_75, %max3A_77 : vector<2000x128xf32>
    %swap3A = arith.constant 0 : index
    %swap3A_79 = arith.constant 0 : index
    %swap3A_80 = vector.load %arg11[%swap3A, %swap3A_79] : memref<2000x128xf32, #tpu.memory_space<vmem>>, vector<2000x128xf32>
    tpu.vector_store %arg11[%swap3A, %swap3A_79], %max3A_78 {strides = array<i32>} : memref<2000x128xf32, #tpu.memory_space<vmem>>, vector<2000x128xf32>,
    return
  }
  func.func @transform_0(%arg0: i32) -> (i32, i32, i32) {
    %c0_i32 = arith.constant 0 : i32
    %c0_i32_0 = arith.constant 0 : i32
    %c0_i32_1 = arith.constant 0 : i32
    return %c0_i32, %arg0, %c0_i32_0 : i32, i32, i32
  }
  func.func @transform_1(%arg0: i32) -> (i32, i32) {
    %c0_i32 = arith.constant 0 : i32
    %c0_i32_0 = arith.constant 0 : i32
    return %arg0, %c0_i32 : i32, i32
  }
  func.func @transform_2(%arg0: i32) -> (i32, i32) {
    %c0_i32 = arith.constant 0 : i32
    %c0_i32_0 = arith.constant 0 : i32
    %c0_i32_1 = arith.constant 0 : i32
    return %c0_i32, %c0_i32_0 : i32, i32
  }
  func.func @transform_3(%arg0: i32) -> (i32, i32) {
    %c0_i32 = arith.constant 0 : i32
    %c0_i32_0 = arith.constant 0 : i32
    %c0_i32_1 = arith.constant 0 : i32
    return %c0_i32, %c0_i32_0 : i32, i32
  }
  func.func @transform_4(%arg0: i32) -> (i32, i32) {
    %c0_i32 = arith.constant 0 : i32
    %c0_i32_0 = arith.constant 0 : i32
    %c0_i32_1 = arith.constant 0 : i32
    return %c0_i32, %c0_i32_0 : i32, i32
  }
  func.func @transform_5(%arg0: i32) -> (i32, i32) {
    %c0_i32 = arith.constant 0 : i32
    %c0_i32_0 = arith.constant 0 : i32
    %c0_i32_1 = arith.constant 0 : i32
    return %c0_i32, %c0_i32_0 : i32, i32
  }
  func.func @transform_6(%arg0: i32) -> (i32, i32) {
    %c0_i32 = arith.constant 0 : i32
    %c0_i32_0 = arith.constant 0 : i32
    %c0_i32_1 = arith.constant 0 : i32
    return %c0_i32, %c0_i32_0 : i32, i32
  }
  func.func @transform_7(%arg0: i32) -> (i32, i32) {
    %c0_i32 = arith.constant 0 : i32
    %c0_i32_0 = arith.constant 0 : i32
    %c0_i32_1 = arith.constant 0 : i32
    return %c0_i32, %c0_i32_0 : i32, i32
  }
  func.func @transform_8(%arg0: i32) -> (i32, i32) {
    %c0_i32 = arith.constant 0 : i32
    %c0_i32_0 = arith.constant 0 : i32
    %c0_i32_1 = arith.constant 0 : i32
    return %c0_i32, %c0_i32_0 : i32, i32
  }
  func.func @transform_9(%arg0: i32) -> (i32, i32) {
    %c0_i32 = arith.constant 0 : i32
    %c0_i32_0 = arith.constant 0 : i32
    %c0_i32_1 = arith.constant 0 : i32
    return %c0_i32, %c0_i32_0 : i32, i32
  }
  func.func @transform_10(%arg0: i32) -> (i32, i32) {
    %c0_i32 = arith.constant 0 : i32
    %c0_i32_0 = arith.constant 0 : i32
    return %arg0, %c0_i32 : i32, i32
  }
}

</mosaic_0001>

<sc_bundles>
// kernel: kernel.5.cloned.1.call-start
scs
__scs_entry_jumppad:
0x0: {  	(pc) =	sbr.rel $0x88, $3  }
0x1: {  	(tag) =	ssettag $0x0;
	lr =	simm.s32 $0x1  }
0x2: {  	[smem:$0x3F97] =	sst lr;
	_ =	strace $0xD0000000  }
0x3: {  	_ = 	snop  }
0x4: {  	_ = 	snop  }
0x5: {  	_ = 	snop  }
0x6: {  	_ = 	snop  }
0x7: {  	_ = 	snop  }
__scs_overlays_trampoline_lowered:
0x8: {  	[smem:$0x3FA6] =	sst s0  }
0x9: {  	[smem:$0x3FA7] =	sst s1  }
0xa: {  	[smem:$0x3FA8] =	sst s2  }
0xb: {  	[smem:$0x3FA9] =	sst s3  }
0xc: {  	[smem:$0x3FAA] =	sst s4  }
0xd: {  	[smem:$0x3FAB] =	sst s5  }
0xe: {  	[smem:$0x3FAC] =	sst s6  }
0xf: {  	[smem:$0x3FAD] =	sst s7  }
0x10: {  	[smem:$0x3FAE] =	sst s8  }
0x11: {  	[smem:$0x3FAF] =	sst s9;
	s0 =	simm.s32 @!p0 $0x0  }
0x12: {  	s1 =	sld [smem:$0x3F95];
	s0 =	simm.s32 @p0 $0x1  }
0x13: {  	[smem:$0x3FB0] =	sst s0;
	s0 =	simm.s32 @!p1 $0x0  }
0x14: {  	s2 =	sld [smem:$0x3F94];
	s0 =	simm.s32 @p1 $0x1  }
0x15: {  	[smem:$0x3FB1] =	sst s0;
	s0 =	simm.s32 @!p2 $0x0  }
0x16: {  	s3 =	sld [smem:$0x3FDB];
	s0 =	simm.s32 @p2 $0x1  }
0x17: {  	s4 =	simm.s32 $0x1BF5;
	[smem:$0x3FB3] =	sst s0  }
0x18: {  	s0 =	sld [smem:$0x3F96];
	_ =	swait.ge [sflag:s4], $0x0  }
0x19: {  	s7 =	sld [smem:$0x3F97]  }
0x1a: {  	s8 =	sadd.s32 $0xFFFFE003, lr  }
0x1b: {  	s9 =	sadd.s32 $0xFFFFFEF7, lr;
	s5 =	simm.s32 $0xFFFFFFFF;
	p2 =	slt.u32 s8, $0xFFFFF086  }
0x1c: {  	p1 =	slt.u32 s9, $0xF7A;
	s5 =	simm.s32 @!p2 $0x0  }
0x1d: {  	s5 =	simm.s32 @p1 $0x1;
	p0 =	seq.s32 s7, s2  }
0x1e: {  	s7 =	smul.u32 @!p0 $0xF7A, s2;
	p2 =	seq.s32 @!p0 s5, $0x0  }
0x1f: {  	s9 =	smul.u32 $0xF7A, s1;
	s8 =	simm.s32 @!p0 $0x1BF5;
	p2 =	por !p2, p0  }
0x20: {  	[sflag:s8] =	ssyncset.s32 @!p0 $0xFFFFF086;
	s6 =	sadd.s32 @!p0 s3, s7;
	s7 =	simm.s32 @!p0 $0x108  }
0x21: {  	s3 =	sadd.s32 s3, s9;
	s6 =	sadd.s32 @!p0 $0x88, s6;
	s7 =	simm.s32 @p2 $0x1082  }
0x22: {  	[simem:s7], [sflag:s8] =	dma.local @!p0 [hbm:s6], $0xF7A  }
0x23: {  	s9 =	sor.u32 $0xD0000000, s2;
	s6 =	simm.s32 $0x108;
	_ =	swait.ge @!p0 [sflag:s8], $0x0  }
0x24: {  	s3 =	sadd.s32 $0x88, s3;
	s6 =	simm.s32 @!p1 $0x1082;
	[sflag:s4] =	ssyncset.s32 $0xFFFFF086  }
0x25: {  	[simem:s6], [sflag:s4] =	dma.local [hbm:s3], $0xF7A  }
0x26: {  	[smem:$0x3F97] =	sst s1;
	(tag) =	ssettag s2;
	_ =	strace s9  }
0x27: {  	s1 =	sld [smem:$0x3FA7]  }
0x28: {  	s2 =	sld [smem:$0x3FA8]  }
0x29: {  	s4 =	sld [smem:$0x3FAA]  }
0x2a: {  	p0 =	seq.s32 s5, $0x0;
	s5 =	sld [smem:$0x3FAB]  }
0x2b: {  	s6 =	sld [smem:$0x3FAC]  }
0x2c: {  	s7 =	sld [smem:$0x3FAD]  }
0x2d: {  	s3 =	simm.s32 $0x108;
	s8 =	sld [smem:$0x3FAE]  }
0x2e: {  	s3 =	simm.s32 @!p0 $0x1082;
	s9 =	sld [smem:$0x3FAF]  }
0x2f: {  	lr =	sadd.s32 s0, s3;
	s0 =	sld [smem:$0x3FA6]  }
0x30: {  	s3 =	sld [smem:$0x3FA9]  }
0x31: {  	[smem:$0x3FB2] =	sst s10  }
0x32: {  	s10 =	sld [smem:$0x3FB0];
	_ =	sdelay $0x3  }
0x33: {  	p0 =	seq.s32 s10, $0x1;
	s10 =	sld [smem:$0x3FB2];
	_ =	sdelay $0x3  }
0x34: {  	[smem:$0x3FB2] =	sst s10  }
0x35: {  	s10 =	sld [smem:$0x3FB1];
	_ =	sdelay $0x3  }
0x36: {  	p1 =	seq.s32 s10, $0x1;
	s10 =	sld [smem:$0x3FB2];
	_ =	sdelay $0x3  }
0x37: {  	[smem:$0x3FB2] =	sst s10  }
0x38: {  	s10 =	sld [smem:$0x3FB3]  }
0x39: {  	_ = 	snop;
	(pc) =	sbr.ind lr, $3  }
0x3a: {  	_ = 	snop  }
0x3b: {  	_ = 	snop  }
0x3c: {  	p2 =	seq.s32 s10, $0x1;
	s10 =	sld [smem:$0x3FB2]  }
0x3d: {  	_ =	shalt  }
0x3e: {  	_ =	shalt  }
0x3f: {  	_ =	shalt  }
0x40: {  	_ =	shalt  }
0x41: {  	_ =	shalt  }
0x42: {  	_ =	shalt  }
0x43: {  	_ =	shalt  }
0x44: {  	_ =	shalt  }
0x45: {  	_ =	shalt  }
0x46: {  	_ =	shalt  }
0x47: {  	_ =	shalt  }
0x48: {  	_ =	shalt  }
0x49: {  	_ =	shalt  }
0x4a: {  	_ =	shalt  }
0x4b: {  	_ =	shalt  }
0x4c: {  	_ =	shalt  }
0x4d: {  	_ =	shalt  }
0x4e: {  	_ =	shalt  }
0x4f: {  	_ =	shalt  }
0x50: {  	_ =	shalt  }
0x51: {  	_ =	shalt  }
0x52: {  	_ =	shalt  }
0x53: {  	_ =	shalt  }
0x54: {  	_ =	shalt  }
0x55: {  	_ =	shalt  }
0x56: {  	_ =	shalt  }
0x57: {  	_ =	shalt  }
0x58: {  	_ =	shalt  }
0x59: {  	_ =	shalt  }
0x5a: {  	_ =	shalt  }
0x5b: {  	_ =	shalt  }
0x5c: {  	_ =	shalt  }
0x5d: {  	_ =	shalt  }
0x5e: {  	_ =	shalt  }
0x5f: {  	_ =	shalt  }
0x60: {  	_ =	shalt  }
0x61: {  	_ =	shalt  }
0x62: {  	_ =	shalt  }
0x63: {  	_ =	shalt  }
0x64: {  	_ =	shalt  }
0x65: {  	_ =	shalt  }
0x66: {  	_ =	shalt  }
0x67: {  	_ =	shalt  }
0x68: {  	_ =	shalt  }
0x69: {  	_ =	shalt  }
0x6a: {  	_ =	shalt  }
0x6b: {  	_ =	shalt  }
0x6c: {  	_ =	shalt  }
0x6d: {  	_ =	shalt  }
0x6e: {  	_ =	shalt  }
0x6f: {  	_ =	shalt  }
0x70: {  	_ =	shalt  }
0x71: {  	_ =	shalt  }
0x72: {  	_ =	shalt  }
0x73: {  	_ =	shalt  }
0x74: {  	_ =	shalt  }
0x75: {  	_ =	shalt  }
0x76: {  	_ =	shalt  }
0x77: {  	_ =	shalt  }
0x78: {  	_ =	shalt  }
0x79: {  	_ =	shalt  }
0x7a: {  	_ =	shalt  }
0x7b: {  	_ =	shalt  }
0x7c: {  	_ =	shalt  }
0x7d: {  	_ =	shalt  }
0x7e: {  	_ =	shalt  }
0x7f: {  	_ =	shalt  }
0x80: {  	_ =	shalt  }
0x81: {  	_ =	shalt  }
0x82: {  	_ =	shalt  }
0x83: {  	_ =	shalt  }
0x84: {  	_ =	shalt  }
0x85: {  	_ =	shalt  }
0x86: {  	_ =	shalt  }
0x87: {  	_ =	shalt  }
.Lfunc_end0:
.L_simem_size_0:
called_computation_lowered:
.L_overlay_start_0:
0x88: {  	s2 =	sld [smem:$0x3FD9]  }
0x89: {  	s3 =	sld [smem:$0x3FFE];
	_ =	sdelay $0x1  }
0x8a: {  	s1 =	srdreg.scid  }
0x8b: {  	s0 =	sand.u32 $0x1, s1  }
0x8c: {  	s17 =	sshll.u32 s0, $0xA;
	s2 =	sadd.s32 s3, s2  }
0x8d: {  	s2 =	sadd.s32 s2, s17  }
0x8e: {  	[smem:$0x3FBE] =	sst s2  }
0x8f: {  	_ = 	snop  }
0x90: {  	s2 =	sld [smem:$0x3FD0];
	(tm) =	ssettm $0x1  }
0x91: {  	s18 =	sld [smem:$0x3FFB];
	_ =	sdelay $0x3  }
0x92: {  	_ =	strace s18  }
0x93: {  	s3 =	sld [smem:$0x3FFC];
	_ =	sdelay $0x3  }
0x94: {  	_ =	strace s3  }
0x95: {  	s3 =	sld [smem:$0x3FFD];
	_ =	sdelay $0x3  }
0x96: {  	_ =	strace s3  }
0x97: {  	_ =	strace $0x8FFFFFFF  }
0x98: {  	s19 =	sld [smem:$0x3FDB];
	_ =	sdelay $0x1  }
0x99: {  	s4 =	simm.s32 $_scs_section_size  }
0x9a: {  	s5 =	simm.s32 $_size__tile_overlayer_lowered;
	s6 =	simm.s32 $_tile_overlayer_lowered  }
0x9b: {  	s22 =	simm.s32 $0x1BFF;
	s21 =	sshll.u32 s6, $0x1;
	s3 =	sadd.s32 s4, s19  }
0x9c: {  	s7 =	simm.s32 $0x0;
	s20 =	sshll.u32 s5, $0x1;
	s5 =	sadd.s32 s21, s3  }
0x9d: {  	[timem:s7], [sflag:s22] =	dma.local [hbm:s5], s20  }
0x9e: {  	_ =	swait.ge [sflag:s22], s20  }
0x9f: {  	s4 =	ssub.s32 $0x0, s20;
	[sflag:s22] =	ssyncset.done $0x0  }
0xa0: {  	[sflag:s22] =	ssyncadd.s32 s4;
	_ =	sdelay $0x1  }
0xa1: {  	s23 =	simm.s32 $0x1B8B  }
0xa2: {  	_ =	swait.ge [sflag:s23], $0x1  }
0xa3: {  	[sflag:s23] =	ssyncset.done $0x0  }
0xa4: {  	s25 =	simm.s32 $0x1B8E;
	s24 =	sld [smem:$0x3FFE];
	[sflag:s23] =	ssyncadd.s32 $0xFFFFFFFF  }
0xa5: {  	s26 =	simm.s32 $execute0_lowered;
	[smem:$0x3FD2] =	sst s25  }
0xa6: {  	s5 =	sshll.u32 s26, $0x1;
	_ =	strace $0x80000046;
	[dreg:$0x1] =	wrdreg $0xFFFFFFFF  }
0xa7: {  	s28 =	simm.s32 $_size_execute0_lowered;
	s3 =	sadd.s32 s3, s5;
	[dreg:$0x0] =	wrdreg $0x0  }
0xa8: {  	s5 =	sshll.u32 s28, $0x1;
	[dreg:$0x2] =	wrdreg s3  }
0xa9: {  	[dreg:$0x3] =	wrdreg s5  }
0xaa: {  	[dreg:$0x4] =	wrdreg $0xC0  }
0xab: {  	_ =	task [dreg:s7], $0x5FFFF  }
0xac: {  	[dreg:$0x1] =	wrdreg $0xFFFFFFFF  }
0xad: {  	[dreg:$0x0] =	wrdreg $0x60  }
0xae: {  	[dreg:$0x2] =	wrdreg s24  }
0xaf: {  	[dreg:$0x3] =	wrdreg s2  }
0xb0: {  	[dreg:$0x4] =	wrdreg $0xA8000  }
0xb1: {  	[dreg:$0x5] =	wrdreg $0x9  }
0xb2: {  	_ =	task.clear_ibuf [dreg:s7], $0x6FFFF;
	_ =	strace $0x90000046  }
0xb3: {  	s29 =	simm.s32 $0x9;
	_ =	strace $0x80000048  }
0xb4: {  	_ =	swait.ge [sflag:s29], $0x1  }
0xb5: {  	[sflag:s29] =	ssyncadd.s32 $0xFFFFFFFF  }
0xb6: {  	_ =	strace $0x90000048  }
0xb7: {  	_ =	sfence  }
0xb8: {  	s30 =	sld [smem:$0x0];
	_ =	sdelay $0x2  }
0xb9: {  	s31 =	sshll.u32 s1, $0xD;
	s1 =	sshrl.u32 s1, $0x2  }
0xba: {  	s3 =	sand.u32 $0x4000, s31;
	s1 =	sadd.s32 s1, s30  }
0xbb: {  	s0 =	sor.u32 s3, s0;
	s1 =	sshll.u32 s1, $0x11  }
0xbc: {  	s0 =	sor.u32 s1, s0  }
0xbd: {  	s0 =	sadd.s32 $0x8F2B, s0  }
0xbe: {  	[sflag:s0] =	ssyncadd.remote.s32 $0x1  }
0xbf: {  	_ =	sfence.sel $0xFFFF  }
0xc0: {  	[dreg:$0x0] =	wrdreg $0xFFFFFFFF;
	(pc) =	sbr.abs _section_cstart, $3  }
0xc1: {  	[dreg:$0x1] =	wrdreg $0xFFFFFFFF  }
0xc2: {  	_ =	task.clear_ibuf [dreg:s7], $0x2FFFF;
	_ =	strace $0x9FFFFFFF  }
0xc3: {  	(tm) =	ssettm $0x7FFFFFFF  }
tec
execute0_lowered:
.L_overlay_start_1:
0x0: {  	(tag) =	ssettag $0x1  }
0x1: {  	s7 =	rddreg [dreg:$0x0]  }
0x2: {  	s1 =	rddreg [dreg:$0x1]  }
0x3: {  	s2 =	rddreg [dreg:$0x2]  }
0x4: {  	s0 =	rddreg [dreg:$0x3]  }
0x5: {  	s3 =	simm.s32 $0x0;
	s4 =	srdreg.scid;
	s12 =	stileid.u32  }
0x6: {  	s13 =	simm.s32 $0x80;
	s14 =	simm.s32 $0x2800;
	s15 =	simm.s32 $0x6800  }
0x7: {  	s16 =	simm.s32 $0x1;
	s17 =	simm.s32 $0x2;
	s18 =	simm.s32 $0x2700  }
0x8: {  	s19 =	simm.s32 $0x2780;
	[smem:$0x7FF] =	sst s3;
	s8 =	sand.u32 $0x1, s4  }
0x9: {  	s4 =	sadd.s32 $0x28800, s7;
	s5 =	sadd.s32 $0x1600, s7;
	s9 =	smul.u32 $0x27100, s8  }
.Ltmp0:
0xa: {  	s6 =	sadd.s32 $0x3C800, s7;
	s10 =	ssub.s32 $0x2, s8;
	(pc) =	sbr.rel .LBB2_1-.Ltmp0, $4  }
0xb: {  	p0 =	sne.s32 s12, $0x0;
	_ =	strace $0x80000047;
	s11 =	sshrl.u32 s10, $0x1  }
0xc: {  	p1 =	seq.s32 s8, $0x1;
	s9 =	sadd.s32 s9, s7;
	s10 =	ssub.s32 s10, s11  }
0xd: {  	s7 =	smul.u32 $0x5000, s12;
	s11 =	simm.s32 $0x3;
	s12 =	simm.s32 $0x1400  }
0xe: {  	s8 =	sadd.s32 $0x63A00, s9;
	s9 =	smax.u32 s10, $0x1;
	s10 =	sshrl.u32 @!p0 s2, $0x3  }
.LBB2_8:
0xf: {  	[bflag:$0x0] =	sbarrier.arrive $0xFFFF;
	s20 =	simm.s32 @!p0 $0x1C03;
	s3 =	sadd.s32 $0x1, s3  }
0x10: {  	[hbm:s8], [sflag:s20] =	dma.local @!p0 [spmem:s10], $0x27100  }
0x11: {  	p2 =	sne.s32 s3, s9  }
.Ltmp1:
0x12: {  	_ = 	snop;
	(pc) =	sbr.rel @!p2 .LBB2_9-.Ltmp1, $4  }
0x13: {  	s20 =	simm.s32 @!p0 $0x3  }
0x14: {  	_ =	swait.ge @!p0 [sflag:s20], $0x27100  }
0x15: {  	[sflag:s20] =	ssyncset.done @!p0 $0x0  }
0x16: {  	[sflag:s20] =	ssyncadd.s32 @!p0 $0xFFFD8F00  }
.LBB2_1:
0x17: {  	s20 =	simm.s32 @!p0 $0x1C03  }
0x18: {  	[spmem:s10], [sflag:s20] =	dma.local @!p0 [hbm:s6], $0x27180  }
0x19: {  	s20 =	simm.s32 @!p0 $0x3  }
.Ltmp2:
0x1a: {  	_ =	swait.ge @!p0 [sflag:s20], $0x27180;
	(pc) =	sbr.rel @!p1 .LBB2_2-.Ltmp2, $4  }
0x1b: {  	[sflag:s20] =	ssyncset.done @!p0 $0x0  }
0x1c: {  	[sflag:s20] =	ssyncadd.s32 @!p0 $0xFFFD8E80  }
0x1d: {  	[bflag:$0x0] =	sbarrier.arrive $0xFFFF  }
0x1e: {  	s21 =	simm.s32 $0x0;
	s20 =	simm.s32 $0x0  }
.LBB2_5:
0x1f: {  	s20 =	smul.u32 $0x1400, s21;
	_ =	sdelay $0x1  }
0x20: {  	s20 =	sadd.s32 s7, s20  }
0x21: {  	s20 =	sshrl.u32 s20, $0x3  }
0x22: {  	s22 =	simm.s32 $0x0;
	s20 =	sadd.s32 s4, s20  }
0x23: {  	[tilespmem:s22], [sflag:$0x3] =	stream.linear.gather [hbm4b:s20+s22], $0x1400, $0x38;
	[tilespmem:$0x1E0C0] =	vst v63  }
0x24: {  	_ =	swait.ge [sflag:s11], $0x1400  }
0x25: {  	[sflag:s11] =	ssyncset.done $0x0  }
0x26: {  	s20 =	sadd.s32 $0xA000, s20;
	[sflag:s11] =	ssyncadd.s32 $0xFFFFEC00  }
0x27: {  	[tilespmem:s12], [sflag:$0x3] =	stream.linear.gather [hbm4b:s20+s22], $0x1400, $0x38;
	[tilespmem:$0x1E0C0] =	vst v63  }
0x28: {  	_ =	swait.ge [sflag:s11], $0x1400  }
0x29: {  	[sflag:s11] =	ssyncset.done $0x0  }
0x2a: {  	[sflag:s11] =	ssyncadd.s32 $0xFFFFEC00  }
0x2b: {  	[tilespmem:s14], [sflag:$0x1] =	stream.indirect.gather [hbm4b:s5+s13], $0x80, s22, s13, $0xb8;
	[tilespmem:$0x1E0C0] =	vst v63  }
0x2c: {  	_ = 	snop  }
0x2d: {  	[tilespmem:s15], [sflag:$0x2] =	stream.indirect.gather [hbm4b:s5+s13], $0x80, s13, s13, $0xb8;
	[tilespmem:$0x1E0C0] =	vst v63  }
0x2e: {  	_ =	swait.ge [sflag:s16], $0x4000  }
0x2f: {  	[sflag:s16] =	ssyncset.done $0x0  }
0x30: {  	s29 =	simm.s32 $0x1400;
	[sflag:s16] =	ssyncadd.s32 $0xFFFFC000  }
0x31: {  	[spmem:s2] =	stream.indirect.scatter.add.f32 [tilespmem:s14], [sflag:$0x3], $0x80, s29, s13, $0xb8;
	[tilespmem:$0x1E0C0] =	vst v63  }
0x32: {  	_ =	swait.ge [sflag:s11], $0x4000  }
0x33: {  	[sflag:s11] =	ssyncset.done $0x0  }
0x34: {  	s30 =	simm.s32 $0x100;
	[sflag:s11] =	ssyncadd.s32 $0xFFFFC000  }
0x35: {  	[tilespmem:s14], [sflag:$0x1] =	stream.indirect.gather [hbm4b:s5+s13], $0x80, s30, s13, $0xb8;
	[tilespmem:$0x1E0C0] =	vst v63  }
0x36: {  	_ =	swait.ge [sflag:s17], $0x4000  }
0x37: {  	[sflag:s17] =	ssyncset.done $0x0  }
0x38: {  	s31 =	simm.s32 $0x1480;
	[sflag:s17] =	ssyncadd.s32 $0xFFFFC000  }
0x39: {  	[spmem:s2] =	stream.indirect.scatter.add.f32 [tilespmem:s15], [sflag:$0x3], $0x80, s31, s13, $0xb8;
	[tilespmem:$0x1E0C0] =	vst v63  }
0x3a: {  	_ =	swait.ge [sflag:s11], $0x4000  }
0x3b: {  	[sflag:s11] =	ssyncset.done $0x0  }
0x3c: {  	s20 =	simm.s32 $0x400;
	s22 =	simm.s32 $0x180;
	[sflag:s11] =	ssyncadd.s32 $0xFFFFC000  }
.LBB2_6:
0x3d: {  	[tilespmem:s15], [sflag:$0x2] =	stream.indirect.gather [hbm4b:s5+s13], $0x80, s22, s13, $0xb8;
	[tilespmem:$0x1E0C0] =	vst v63  }
0x3e: {  	s22 =	smov.u32 s20  }
0x3f: {  	p2 =	sne.s32 s20, $0x4800;
	s20 =	sadd.s32 $0x400, s20;
	_ =	swait.ge [sflag:s16], $0x4000  }
0x40: {  	s22 =	sshra.s32 s22, $0x2;
	[sflag:s16] =	ssyncset.done $0x0  }
0x41: {  	s23 =	sadd.s32 $0x1400, s22;
	[sflag:s16] =	ssyncadd.s32 $0xFFFFC000  }
0x42: {  	[spmem:s2] =	stream.indirect.scatter.add.f32 [tilespmem:s14], [sflag:$0x3], $0x80, s23, s13, $0xb8;
	[tilespmem:$0x1E0C0] =	vst v63  }
0x43: {  	_ =	swait.ge [sflag:s11], $0x4000  }
0x44: {  	[sflag:s11] =	ssyncset.done $0x0  }
0x45: {  	s23 =	sadd.s32 $0x100, s22;
	[sflag:s11] =	ssyncadd.s32 $0xFFFFC000  }
0x46: {  	[tilespmem:s14], [sflag:$0x1] =	stream.indirect.gather [hbm4b:s5+s13], $0x80, s23, s13, $0xb8;
	[tilespmem:$0x1E0C0] =	vst v63  }
0x47: {  	_ =	swait.ge [sflag:s17], $0x4000  }
0x48: {  	[sflag:s17] =	ssyncset.done $0x0  }
.Ltmp3:
0x49: {  	s23 =	sadd.s32 $0x1480, s22;
	[sflag:s17] =	ssyncadd.s32 $0xFFFFC000;
	(pc) =	sbr.rel @p2 .LBB2_6-.Ltmp3, $4  }
0x4a: {  	[spmem:s2] =	stream.indirect.scatter.add.f32 [tilespmem:s15], [sflag:$0x3], $0x80, s23, s13, $0xb8;
	[tilespmem:$0x1E0C0] =	vst v63  }
0x4b: {  	_ =	swait.ge [sflag:s11], $0x4000  }
0x4c: {  	[sflag:s11] =	ssyncset.done $0x0  }
0x4d: {  	s22 =	sadd.s32 $0x180, s22;
	[sflag:s11] =	ssyncadd.s32 $0xFFFFC000  }
0x4e: {  	[tilespmem:s15], [sflag:$0x2] =	stream.indirect.gather [hbm4b:s5+s13], $0x80, s22, s13, $0xb8;
	[tilespmem:$0x1E0C0] =	vst v63  }
0x4f: {  	_ =	swait.ge [sflag:s16], $0x4000  }
0x50: {  	[sflag:s16] =	ssyncset.done $0x0  }
0x51: {  	[sflag:s16] =	ssyncadd.s32 $0xFFFFC000  }
0x52: {  	[spmem:s2] =	stream.indirect.scatter.add.f32 [tilespmem:s14], [sflag:$0x3], $0x80, s18, s13, $0xb8;
	[tilespmem:$0x1E0C0] =	vst v63  }
0x53: {  	_ =	swait.ge [sflag:s11], $0x4000  }
0x54: {  	[sflag:s11] =	ssyncset.done $0x0  }
0x55: {  	[sflag:s11] =	ssyncadd.s32 $0xFFFFC000  }
0x56: {  	_ =	swait.ge [sflag:s17], $0x4000  }
0x57: {  	s21 =	sadd.s32 $0x1, s21;
	[sflag:s17] =	ssyncset.done $0x0  }
0x58: {  	p2 =	sne.s32 s21, $0x4;
	[sflag:s17] =	ssyncadd.s32 $0xFFFFC000  }
0x59: {  	[spmem:s2] =	stream.indirect.scatter.add.f32 [tilespmem:s15], [sflag:$0x3], $0x80, s19, s13, $0xb8;
	[tilespmem:$0x1E0C0] =	vst v63  }
.Ltmp4:
0x5a: {  	_ = 	snop;
	(pc) =	sbr.rel @p2 .LBB2_5-.Ltmp4, $4  }
.Ltmp5:
0x5b: {  	_ = 	snop;
	(pc) =	sbr.rel @!p2 .LBB2_8-.Ltmp5, $4  }
0x5c: {  	_ =	swait.ge [sflag:s11], $0x4000  }
0x5d: {  	[sflag:s11] =	ssyncset.done $0x0  }
0x5e: {  	[sflag:s11] =	ssyncadd.s32 $0xFFFFC000  }
0x5f: {  	_ = 	snop  }
.LBB2_2:
0x60: {  	s21 =	smul.u32 $0x1400, s20;
	_ =	sdelay $0x1  }
0x61: {  	s21 =	sadd.s32 s7, s21  }
0x62: {  	s21 =	sshrl.u32 s21, $0x3  }
0x63: {  	s22 =	simm.s32 $0x0;
	s21 =	sadd.s32 s4, s21  }
0x64: {  	[tilespmem:s22], [sflag:$0x3] =	stream.linear.gather [hbm4b:s21+s22], $0x1400, $0x38;
	[tilespmem:$0x1E0C0] =	vst v63  }
0x65: {  	_ =	swait.ge [sflag:s11], $0x1400  }
0x66: {  	[sflag:s11] =	ssyncset.done $0x0  }
0x67: {  	s21 =	sadd.s32 $0xA000, s21;
	[sflag:s11] =	ssyncadd.s32 $0xFFFFEC00  }
0x68: {  	[tilespmem:s12], [sflag:$0x3] =	stream.linear.gather [hbm4b:s21+s22], $0x1400, $0x38;
	[tilespmem:$0x1E0C0] =	vst v63  }
0x69: {  	_ =	swait.ge [sflag:s11], $0x1400  }
0x6a: {  	[sflag:s11] =	ssyncset.done $0x0  }
0x6b: {  	[sflag:s11] =	ssyncadd.s32 $0xFFFFEC00  }
0x6c: {  	[tilespmem:s14], [sflag:$0x1] =	stream.indirect.gather [hbm4b:s1+s13], $0x80, s22, s13, $0xb8;
	[tilespmem:$0x1E0C0] =	vst v63  }
0x6d: {  	_ = 	snop  }
0x6e: {  	[tilespmem:s15], [sflag:$0x2] =	stream.indirect.gather [hbm4b:s1+s13], $0x80, s13, s13, $0xb8;
	[tilespmem:$0x1E0C0] =	vst v63  }
0x6f: {  	_ =	swait.ge [sflag:s16], $0x4000  }
0x70: {  	[sflag:s16] =	ssyncset.done $0x0  }
0x71: {  	s29 =	simm.s32 $0x1400;
	[sflag:s16] =	ssyncadd.s32 $0xFFFFC000  }
0x72: {  	[spmem:s2] =	stream.indirect.scatter.add.f32 [tilespmem:s14], [sflag:$0x3], $0x80, s29, s13, $0xb8;
	[tilespmem:$0x1E0C0] =	vst v63  }
0x73: {  	_ =	swait.ge [sflag:s11], $0x4000  }
0x74: {  	[sflag:s11] =	ssyncset.done $0x0  }
0x75: {  	s30 =	simm.s32 $0x100;
	[sflag:s11] =	ssyncadd.s32 $0xFFFFC000  }
0x76: {  	[tilespmem:s14], [sflag:$0x1] =	stream.indirect.gather [hbm4b:s1+s13], $0x80, s30, s13, $0xb8;
	[tilespmem:$0x1E0C0] =	vst v63  }
0x77: {  	_ =	swait.ge [sflag:s17], $0x4000  }
0x78: {  	[sflag:s17] =	ssyncset.done $0x0  }
0x79: {  	s31 =	simm.s32 $0x1480;
	[sflag:s17] =	ssyncadd.s32 $0xFFFFC000  }
0x7a: {  	[spmem:s2] =	stream.indirect.scatter.add.f32 [tilespmem:s15], [sflag:$0x3], $0x80, s31, s13, $0xb8;
	[tilespmem:$0x1E0C0] =	vst v63  }
0x7b: {  	_ =	swait.ge [sflag:s11], $0x4000  }
0x7c: {  	[sflag:s11] =	ssyncset.done $0x0  }
0x7d: {  	s21 =	simm.s32 $0x400;
	s22 =	simm.s32 $0x180;
	[sflag:s11] =	ssyncadd.s32 $0xFFFFC000  }
.LBB2_3:
0x7e: {  	[tilespmem:s15], [sflag:$0x2] =	stream.indirect.gather [hbm4b:s1+s13], $0x80, s22, s13, $0xb8;
	[tilespmem:$0x1E0C0] =	vst v63  }
0x7f: {  	s22 =	smov.u32 s21  }
0x80: {  	p2 =	sne.s32 s21, $0x4800;
	s21 =	sadd.s32 $0x400, s21;
	_ =	swait.ge [sflag:s16], $0x4000  }
0x81: {  	s22 =	sshra.s32 s22, $0x2;
	[sflag:s16] =	ssyncset.done $0x0  }
0x82: {  	s23 =	sadd.s32 $0x1400, s22;
	[sflag:s16] =	ssyncadd.s32 $0xFFFFC000  }
0x83: {  	[spmem:s2] =	stream.indirect.scatter.add.f32 [tilespmem:s14], [sflag:$0x3], $0x80, s23, s13, $0xb8;
	[tilespmem:$0x1E0C0] =	vst v63  }
0x84: {  	_ =	swait.ge [sflag:s11], $0x4000  }
0x85: {  	[sflag:s11] =	ssyncset.done $0x0  }
0x86: {  	s23 =	sadd.s32 $0x100, s22;
	[sflag:s11] =	ssyncadd.s32 $0xFFFFC000  }
0x87: {  	[tilespmem:s14], [sflag:$0x1] =	stream.indirect.gather [hbm4b:s1+s13], $0x80, s23, s13, $0xb8;
	[tilespmem:$0x1E0C0] =	vst v63  }
0x88: {  	_ =	swait.ge [sflag:s17], $0x4000  }
0x89: {  	[sflag:s17] =	ssyncset.done $0x0  }
.Ltmp6:
0x8a: {  	s23 =	sadd.s32 $0x1480, s22;
	[sflag:s17] =	ssyncadd.s32 $0xFFFFC000;
	(pc) =	sbr.rel @p2 .LBB2_3-.Ltmp6, $4  }
0x8b: {  	[spmem:s2] =	stream.indirect.scatter.add.f32 [tilespmem:s15], [sflag:$0x3], $0x80, s23, s13, $0xb8;
	[tilespmem:$0x1E0C0] =	vst v63  }
0x8c: {  	_ =	swait.ge [sflag:s11], $0x4000  }
0x8d: {  	[sflag:s11] =	ssyncset.done $0x0  }
0x8e: {  	s22 =	sadd.s32 $0x180, s22;
	[sflag:s11] =	ssyncadd.s32 $0xFFFFC000  }
0x8f: {  	[tilespmem:s15], [sflag:$0x2] =	stream.indirect.gather [hbm4b:s1+s13], $0x80, s22, s13, $0xb8;
	[tilespmem:$0x1E0C0] =	vst v63  }
0x90: {  	_ =	swait.ge [sflag:s16], $0x4000  }
0x91: {  	[sflag:s16] =	ssyncset.done $0x0  }
0x92: {  	[sflag:s16] =	ssyncadd.s32 $0xFFFFC000  }
0x93: {  	[spmem:s2] =	stream.indirect.scatter.add.f32 [tilespmem:s14], [sflag:$0x3], $0x80, s18, s13, $0xb8;
	[tilespmem:$0x1E0C0] =	vst v63  }
0x94: {  	_ =	swait.ge [sflag:s11], $0x4000  }
0x95: {  	[sflag:s11] =	ssyncset.done $0x0  }
0x96: {  	[sflag:s11] =	ssyncadd.s32 $0xFFFFC000  }
0x97: {  	_ =	swait.ge [sflag:s17], $0x4000  }
0x98: {  	s20 =	sadd.s32 $0x1, s20;
	[sflag:s17] =	ssyncset.done $0x0  }
0x99: {  	p2 =	seq.s32 s20, $0x4;
	[sflag:s17] =	ssyncadd.s32 $0xFFFFC000  }
0x9a: {  	[spmem:s2] =	stream.indirect.scatter.add.f32 [tilespmem:s15], [sflag:$0x3], $0x80, s19, s13, $0xb8;
	[tilespmem:$0x1E0C0] =	vst v63  }
.Ltmp7:
0x9b: {  	_ = 	snop;
	(pc) =	sbr.rel @!p2 .LBB2_2-.Ltmp7, $4  }
.Ltmp8:
0x9c: {  	_ = 	snop;
	(pc) =	sbr.rel @p2 .LBB2_8-.Ltmp8, $4  }
0x9d: {  	_ =	swait.ge [sflag:s11], $0x4000  }
0x9e: {  	[sflag:s11] =	ssyncset.done $0x0  }
0x9f: {  	[sflag:s11] =	ssyncadd.s32 $0xFFFFC000  }
0xa0: {  	_ = 	snop  }
.LBB2_9:
0xa1: {  	_ =	sfence.sel $0x180000  }
0xa2: {  	[bflag:$0x0] =	sbarrier.arrive $0xFFFF  }
0xa3: {  	_ =	strace $0x90000047  }
0xa4: {  	s0 =	sadd.s32 @!p0 $0x100000, s0;
	[bflag:$0x2] =	sbarrier.arrive $0xFFFF  }
0xa5: {  	[sflag:s0] =	ssyncadd.tile.s32 @!p0 $0x1;
	_ =	shalt  }
.Lfunc_end2:
_tile_overlayer_lowered:
.L_overlay_start_2:
0xa6: {  	(tag) =	ssettag $0x2  }
0xa7: {  	s0 =	rddreg [dreg:$0x0];
	s2 =	stileid.u32  }
0xa8: {  	s1 =	rddreg [dreg:$0x1];
	p0 =	sne.s32 s2, $0x0  }
0xa9: {  	s3 =	rddreg [dreg:$0x2];
	[bflag:$0x3] =	sbarrier.arrive $0xFFFF;
	s2 =	simm.s32 @!p0 $0x1C03  }
0xaa: {  	[timem:s3], [sflag:s2] =	dma.local @!p0 [hbm:s0], s1  }
0xab: {  	s0 =	simm.s32 @!p0 $0x3  }
0xac: {  	_ =	swait.ge @!p0 [sflag:s0], s1  }
0xad: {  	s1 =	ssub.s32 @!p0 $0x0, s1;
	[sflag:s0] =	ssyncset.done @!p0 $0x0  }
0xae: {  	[sflag:s0] =	ssyncadd.s32 @!p0 s1  }
0xaf: {  	[bflag:$0x3] =	sbarrier.arrive $0xFFFF  }
0xb0: {  	_ =	shalt  }

</sc_bundles>
